<compile_context>
chip_gen: v7x
topology: tpu7x:2x2x1
jax: 0.10.2.dev20260603
libtpu: 0.0.44.dev20260713+nightly
codegen_flags: <defaults>
</compile_context>

<pallas_src>
import functools

import jax
import jax.numpy as jnp
import numpy as np
from jax import lax
from jax.experimental import pallas as pl
from jax.experimental.pallas import tpu as pltpu
from jax.experimental.pallas import tpu_sc as plsc

_N, _L, _D = 4, 8192, 768
_LEN_KEEP = _L // 4
_NW = 32
_ROWS_PER_W = (_N * _LEN_KEEP) // _NW
_CHUNK = 32
_NCHUNK = _ROWS_PER_W // _CHUNK
_NBUF = 4
_SCAT_PER_W = (_N * _L) // _NW
_SCAT_ROWS = _SCAT_PER_W // 128


def _threefry2x32(k1, k2, x0, x1):
    def rotl(x, d):
        return ((x << np.uint32(d)) | (x >> np.uint32(32 - d))).astype(np.uint32)

    ks = [np.uint32(k1), np.uint32(k2),
          np.uint32(k1) ^ np.uint32(k2) ^ np.uint32(0x1BD11BDA)]
    r0, r1 = [13, 15, 26, 6], [17, 29, 16, 24]
    x = [x0.astype(np.uint32) + ks[0], x1.astype(np.uint32) + ks[1]]

    def rounds(x, rots):
        for r in rots:
            x[0] = (x[0] + x[1]).astype(np.uint32)
            x[1] = x[0] ^ rotl(x[1], r)
        return x

    with np.errstate(over="ignore"):
        x = rounds(x, r0); x[0] += ks[1]; x[1] += ks[2] + np.uint32(1)
        x = rounds(x, r1); x[0] += ks[2]; x[1] += ks[0] + np.uint32(2)
        x = rounds(x, r0); x[0] += ks[0]; x[1] += ks[1] + np.uint32(3)
        x = rounds(x, r1); x[0] += ks[1]; x[1] += ks[2] + np.uint32(4)
        x = rounds(x, r0); x[0] += ks[2]; x[1] += ks[0] + np.uint32(5)
    return x[0], x[1]


def _build_constants():
    n = _N * _L
    b1, b2 = _threefry2x32(0, 42, np.zeros(n, np.uint32),
                           np.arange(n, dtype=np.uint32))
    bits = b1 ^ b2
    fb = (bits >> np.uint32(9)) | np.uint32(0x3F800000)
    noise = np.maximum(np.float32(0),
                       fb.view(np.float32) - np.float32(1.0)).reshape(_N, _L)
    ids_shuffle = np.argsort(noise, axis=1, kind="stable").astype(np.int32)

    row_off = (np.arange(_N, dtype=np.int32) * _L)[:, None]
    gidx = (ids_shuffle[:, :_LEN_KEEP] + row_off).reshape(
        _NW, _NCHUNK, _CHUNK)
    spos = ((ids_shuffle + row_off).reshape(2, 16, _SCAT_ROWS, 128)
            - (np.arange(2, dtype=np.int32) * (_N * _L // 2))[:, None, None, None])
    ranks = np.broadcast_to(np.arange(_L, dtype=np.int32), (_N, _L))
    rvals = np.ascontiguousarray(ranks).reshape(2, 16, _SCAT_ROWS, 128)
    mvals = (ranks >= _LEN_KEEP).astype(np.float32).reshape(
        2, 16, _SCAT_ROWS, 128)
    return gidx, spos, rvals, mvals


_GIDX, _SPOS, _RVALS, _MVALS = _build_constants()

_MESH = plsc.VectorSubcoreMesh(core_axis_name="c", subcore_axis_name="s",
                               num_cores=2, num_subcores=16)


@functools.partial(
    pl.kernel,
    out_type=(
        jax.ShapeDtypeStruct((_N * _LEN_KEEP, _D), jnp.float32),
        jax.ShapeDtypeStruct((_N * _L,), jnp.float32),
        jax.ShapeDtypeStruct((_N * _L,), jnp.int32),
    ),
    mesh=_MESH,
    scratch_types=(
        [pltpu.VMEM((_NBUF, _CHUNK, _D), jnp.float32)]
        + [pltpu.VMEM((_NCHUNK, _CHUNK), jnp.int32)]
        + [pltpu.VMEM((128,), jnp.int32)] * _SCAT_ROWS
        + [pltpu.VMEM((_SCAT_ROWS, 128), jnp.int32)]
        + [pltpu.VMEM((_SCAT_ROWS, 128), jnp.float32)]
        + [pltpu.VMEM_SHARED((_N * _L // 2,), jnp.int32)]
        + [pltpu.VMEM_SHARED((_N * _L // 2,), jnp.float32)]
        + [pltpu.SemaphoreType.DMA] * (2 * _NBUF)
    ),
)
def _sc_mask_kernel(x_hbm, gidx_hbm, spos_hbm, rvals_hbm, mvals_hbm,
                    xm_hbm, mask_hbm, rest_hbm, rows_v, idx_v, *scratch):
    poss = list(scratch[:_SCAT_ROWS])
    rv_v, mv_v = scratch[_SCAT_ROWS:_SCAT_ROWS + 2]
    rest_sh, mask_sh = scratch[_SCAT_ROWS + 2:_SCAT_ROWS + 4]
    gsems = scratch[-(2 * _NBUF):-_NBUF]
    osems = scratch[-_NBUF:]

    cid = lax.axis_index("c")
    sid = lax.axis_index("s")
    w = sid * _MESH.num_cores + cid
    base = w * _ROWS_PER_W
    half = _N * _L // 2

    pltpu.sync_copy(gidx_hbm.at[w], idx_v)
    for j in range(_SCAT_ROWS):
        pltpu.sync_copy(spos_hbm.at[cid, sid, j], poss[j])
    pltpu.sync_copy(rvals_hbm.at[cid, sid], rv_v)
    pltpu.sync_copy(mvals_hbm.at[cid, sid], mv_v)

    for j in range(_SCAT_ROWS):
        pltpu.sync_copy(rv_v.at[j], rest_sh.at[poss[j]])
        pltpu.sync_copy(mv_v.at[j], mask_sh.at[poss[j]])

    gathers = [None] * _NBUF
    outs = [None] * _NBUF
    for c in range(_NBUF):
        gathers[c] = pltpu.async_copy(
            x_hbm.at[idx_v.at[c]], rows_v.at[c], gsems[c])
    for c in range(_NCHUNK):
        b = c % _NBUF
        gathers[b].wait()
        outs[b] = pltpu.async_copy(
            rows_v.at[b], xm_hbm.at[pl.ds(base + c * _CHUNK, _CHUNK)],
            osems[b])
        if c + _NBUF < _NCHUNK:
            outs[b].wait()
            gathers[b] = pltpu.async_copy(
                x_hbm.at[idx_v.at[c + _NBUF]], rows_v.at[b], gsems[b])
            outs[b] = None

    for o in outs:
        if o is not None:
            o.wait()

    plsc.subcore_barrier()
    seg = half // _MESH.num_subcores
    pltpu.sync_copy(rest_sh.at[pl.ds(sid * seg, seg)],
                    rest_hbm.at[pl.ds(cid * half + sid * seg, seg)])
    pltpu.sync_copy(mask_sh.at[pl.ds(sid * seg, seg)],
                    mask_hbm.at[pl.ds(cid * half + sid * seg, seg)])


def kernel(x):
    xf = x.reshape(_N * _L, _D)
    xm, mask_f, rest_f = _sc_mask_kernel(xf, _GIDX, _SPOS, _RVALS, _MVALS)
    return (xm.reshape(_N, _LEN_KEEP, _D),
            mask_f.reshape(_N, _L),
            rest_f.reshape(_N, _L))

# --- scband reference (transcript-rebuilt; emitter-appended) ---
"""Pipeline reference for scband-masking-module-89094801588989 (READ-ONLY COPY).

The authoritative reference and input builder live on the scoring server;
editing this copy changes nothing except your own understanding.
"""

import jax, jax.numpy as jnp
import numpy as np

MASKING_RATIO = 0.75

def setup_inputs(seed: int = 0) -> dict:
    key = jax.random.key(seed)
    x = jax.random.normal(key, (4, 8192, 768), dtype=jnp.float32)
    return {"x": x}

def reference(x):
    # MaskingModule.forward(x, masking_type='random_masking', masking_ratio=0.75)
    N, L, D = x.shape
    len_keep = int(L * (1 - MASKING_RATIO))
    # per-sample shuffling by argsort of random noise
    noise = jax.random.uniform(jax.random.key(42), (N, L), dtype=jnp.float32)
    ids_shuffle = jnp.argsort(noise, axis=1)
    ids_restore = jnp.argsort(ids_shuffle, axis=1)
    ids_keep = ids_shuffle[:, :len_keep]
    # gather kept tokens: torch.gather(x, 1, ids_keep[...,None].repeat(1,1,D))
    x_masked = jnp.take_along_axis(x, ids_keep[:, :, None], axis=1)
    # binary mask: 0 is keep, 1 is remove, unshuffled via ids_restore
    mask = jnp.ones((N, L), dtype=jnp.float32)
    mask = mask.at[:, :len_keep].set(0.0)
    mask = jnp.take_along_axis(mask, ids_restore, axis=1)
    return (x_masked, mask, ids_restore)

if __name__ == "__main__":
    import jax
    _d = setup_inputs()
    print(jax.jit(kernel)(*tuple(_d.values())))

</pallas_src>

<mosaic_0001>
#map = affine_map<(d0, d1) -> (0, 0)>
#map1 = affine_map<(d0, d1) -> (0, 0, 0)>
#map2 = affine_map<(d0, d1) -> (0, 0, 0, 0)>
#map3 = affine_map<(d0, d1) -> (0)>
module attributes {stable_mosaic.version = 14 : i64} {
  func.func @_sc_mask_kernel(%arg0: i32, %arg1: i32, %arg2: memref<32768x768xf32, #tpu.memory_space<hbm>>, %arg3: memref<32x8x32xi32, #tpu.memory_space<hbm>>, %arg4: memref<2x16x8x128xi32, #tpu.memory_space<hbm>>, %arg5: memref<2x16x8x128xi32, #tpu.memory_space<hbm>>, %arg6: memref<2x16x8x128xf32, #tpu.memory_space<hbm>>, %arg7: memref<8192x768xf32, #tpu.memory_space<hbm>>, %arg8: memref<32768xf32, #tpu.memory_space<hbm>>, %arg9: memref<32768xi32, #tpu.memory_space<hbm>>, %arg10: memref<4x32x768xf32, #tpu.memory_space<vmem>>, %arg11: memref<8x32xi32, #tpu.memory_space<vmem>>, %arg12: memref<128xi32, #tpu.memory_space<vmem>>, %arg13: memref<128xi32, #tpu.memory_space<vmem>>, %arg14: memref<128xi32, #tpu.memory_space<vmem>>, %arg15: memref<128xi32, #tpu.memory_space<vmem>>, %arg16: memref<128xi32, #tpu.memory_space<vmem>>, %arg17: memref<128xi32, #tpu.memory_space<vmem>>, %arg18: memref<128xi32, #tpu.memory_space<vmem>>, %arg19: memref<128xi32, #tpu.memory_space<vmem>>, %arg20: memref<8x128xi32, #tpu.memory_space<vmem>>, %arg21: memref<8x128xf32, #tpu.memory_space<vmem>>, %arg22: memref<16384xi32, #tpu.memory_space<vmem_shared>>, %arg23: memref<16384xf32, #tpu.memory_space<vmem_shared>>, %arg24: memref<!tpu.dma_semaphore, #tpu.memory_space<semaphore_mem>>, %arg25: memref<!tpu.dma_semaphore, #tpu.memory_space<semaphore_mem>>, %arg26: memref<!tpu.dma_semaphore, #tpu.memory_space<semaphore_mem>>, %arg27: memref<!tpu.dma_semaphore, #tpu.memory_space<semaphore_mem>>, %arg28: memref<!tpu.dma_semaphore, #tpu.memory_space<semaphore_mem>>, %arg29: memref<!tpu.dma_semaphore, #tpu.memory_space<semaphore_mem>>, %arg30: memref<!tpu.dma_semaphore, #tpu.memory_space<semaphore_mem>>, %arg31: memref<!tpu.dma_semaphore, #tpu.memory_space<semaphore_mem>>) attributes {dimension_semantics = [#tpu.dimension_semantics<core_parallel>, #tpu.dimension_semantics<subcore_parallel>], iteration_bounds = array<i64: 2, 16>, scalar_prefetch = 0 : i64, scratch_operands = 22 : i64, tpu.core_type = #tpu.core_type<sc_vector_subcore>, window_params = [{transform_indices = #map}, {transform_indices = #map1}, {transform_indices = #map2}, {transform_indices = #map2}, {transform_indices = #map2}, {transform_indices = #map}, {transform_indices = #map3}, {transform_indices = #map3}]} {
    %mul3A = arith.constant 2 : i32
    %mul3A_0 = arith.muli %arg1, %mul3A : i32
    %add3A = arith.addi %mul3A_0, %arg0 : i32
    %mul3A_1 = arith.constant 256 : i32
    %mul3A_2 = arith.muli %add3A, %mul3A_1 : i32
    "tpu.region"() ({
      %run_scoped3A_454 = tpu.sem_alloc : memref<!tpu.dma_semaphore, #tpu.memory_space<semaphore_mem>>
      %dma_start3A_455 = arith.constant 0 : i32
      %dma_start3A_456 = arith.constant 0 : i32
      %dma_start3A_457 = tpu.memref_slice %arg3[%add3A, %dma_start3A_455, %dma_start3A_456] : memref<32x8x32xi32, #tpu.memory_space<hbm>> -> memref<1x8x32xi32, #tpu.memory_space<hbm>>
      %dma_start3A_458 = tpu.memref_squeeze %dma_start3A_457 : memref<1x8x32xi32, #tpu.memory_space<hbm>> -> memref<8x32xi32, #tpu.memory_space<hbm>>
      %dma_start3A_459 = arith.constant 0 : i32
      %dma_start3A_460 = arith.constant 0 : i32
      %dma_start3A_461 = tpu.memref_slice %arg3[%add3A, %dma_start3A_459, %dma_start3A_460] : memref<32x8x32xi32, #tpu.memory_space<hbm>> -> memref<1x8x32xi32, #tpu.memory_space<hbm>>
      %dma_start3A_462 = tpu.memref_squeeze %dma_start3A_461 : memref<1x8x32xi32, #tpu.memory_space<hbm>> -> memref<8x32xi32, #tpu.memory_space<hbm>>
      tpu.enqueue_dma source(%dma_start3A_462 : memref<8x32xi32, #tpu.memory_space<hbm>>) target(%arg11 : memref<8x32xi32, #tpu.memory_space<vmem>>) target_semaphore(%run_scoped3A_454 : memref<!tpu.dma_semaphore, #tpu.memory_space<semaphore_mem>>)
      %dma_wait3A_463 = arith.constant 0 : i32
      %dma_wait3A_464 = arith.constant 0 : i32
      %dma_wait3A_465 = tpu.memref_slice %arg3[%add3A, %dma_wait3A_463, %dma_wait3A_464] : memref<32x8x32xi32, #tpu.memory_space<hbm>> -> memref<1x8x32xi32, #tpu.memory_space<hbm>>
      %dma_wait3A_466 = tpu.memref_squeeze %dma_wait3A_465 : memref<1x8x32xi32, #tpu.memory_space<hbm>> -> memref<8x32xi32, #tpu.memory_space<hbm>>
      %dma_wait3A_467 = arith.constant 0 : i32
      %dma_wait3A_468 = arith.constant 0 : i32
      %dma_wait3A_469 = tpu.memref_slice %arg3[%add3A, %dma_wait3A_467, %dma_wait3A_468] : memref<32x8x32xi32, #tpu.memory_space<hbm>> -> memref<1x8x32xi32, #tpu.memory_space<hbm>>
      %dma_wait3A_470 = tpu.memref_squeeze %dma_wait3A_469 : memref<1x8x32xi32, #tpu.memory_space<hbm>> -> memref<8x32xi32, #tpu.memory_space<hbm>>
      tpu.wait_dma2 semaphore(%run_scoped3A_454 : memref<!tpu.dma_semaphore, #tpu.memory_space<semaphore_mem>>) src(%dma_wait3A_470 : memref<8x32xi32, #tpu.memory_space<hbm>>) dst(%arg11 : memref<8x32xi32, #tpu.memory_space<vmem>>)
      tpu.yield
    }) : () -> ()
    %run_scoped3A = arith.constant 0 : i32
    "tpu.region"() ({
      %run_scoped3A_454 = tpu.sem_alloc : memref<!tpu.dma_semaphore, #tpu.memory_space<semaphore_mem>>
      %dma_start3A_455 = arith.constant 0 : i32
      %dma_start3A_456 = tpu.memref_slice %arg4[%arg0, %arg1, %run_scoped3A, %dma_start3A_455] : memref<2x16x8x128xi32, #tpu.memory_space<hbm>> -> memref<1x1x1x128xi32, #tpu.memory_space<hbm>>
      %dma_start3A_457 = tpu.memref_squeeze %dma_start3A_456 : memref<1x1x1x128xi32, #tpu.memory_space<hbm>> -> memref<128xi32, #tpu.memory_space<hbm>>
      %dma_start3A_458 = arith.constant 0 : i32
      %dma_start3A_459 = tpu.memref_slice %arg4[%arg0, %arg1, %run_scoped3A, %dma_start3A_458] : memref<2x16x8x128xi32, #tpu.memory_space<hbm>> -> memref<1x1x1x128xi32, #tpu.memory_space<hbm>>
      %dma_start3A_460 = tpu.memref_squeeze %dma_start3A_459 : memref<1x1x1x128xi32, #tpu.memory_space<hbm>> -> memref<128xi32, #tpu.memory_space<hbm>>
      tpu.enqueue_dma source(%dma_start3A_460 : memref<128xi32, #tpu.memory_space<hbm>>) target(%arg12 : memref<128xi32, #tpu.memory_space<vmem>>) target_semaphore(%run_scoped3A_454 : memref<!tpu.dma_semaphore, #tpu.memory_space<semaphore_mem>>)
      %dma_wait3A_461 = arith.constant 0 : i32
      %dma_wait3A_462 = tpu.memref_slice %arg4[%arg0, %arg1, %run_scoped3A, %dma_wait3A_461] : memref<2x16x8x128xi32, #tpu.memory_space<hbm>> -> memref<1x1x1x128xi32, #tpu.memory_space<hbm>>
      %dma_wait3A_463 = tpu.memref_squeeze %dma_wait3A_462 : memref<1x1x1x128xi32, #tpu.memory_space<hbm>> -> memref<128xi32, #tpu.memory_space<hbm>>
      %dma_wait3A_464 = arith.constant 0 : i32
      %dma_wait3A_465 = tpu.memref_slice %arg4[%arg0, %arg1, %run_scoped3A, %dma_wait3A_464] : memref<2x16x8x128xi32, #tpu.memory_space<hbm>> -> memref<1x1x1x128xi32, #tpu.memory_space<hbm>>
      %dma_wait3A_466 = tpu.memref_squeeze %dma_wait3A_465 : memref<1x1x1x128xi32, #tpu.memory_space<hbm>> -> memref<128xi32, #tpu.memory_space<hbm>>
      tpu.wait_dma2 semaphore(%run_scoped3A_454 : memref<!tpu.dma_semaphore, #tpu.memory_space<semaphore_mem>>) src(%dma_wait3A_466 : memref<128xi32, #tpu.memory_space<hbm>>) dst(%arg12 : memref<128xi32, #tpu.memory_space<vmem>>)
      tpu.yield
    }) : () -> ()
    %run_scoped3A_3 = arith.constant 1 : i32
    "tpu.region"() ({
      %run_scoped3A_454 = tpu.sem_alloc : memref<!tpu.dma_semaphore, #tpu.memory_space<semaphore_mem>>
      %dma_start3A_455 = arith.constant 0 : i32
      %dma_start3A_456 = tpu.memref_slice %arg4[%arg0, %arg1, %run_scoped3A_3, %dma_start3A_455] : memref<2x16x8x128xi32, #tpu.memory_space<hbm>> -> memref<1x1x1x128xi32, #tpu.memory_space<hbm>>
      %dma_start3A_457 = tpu.memref_squeeze %dma_start3A_456 : memref<1x1x1x128xi32, #tpu.memory_space<hbm>> -> memref<128xi32, #tpu.memory_space<hbm>>
      %dma_start3A_458 = arith.constant 0 : i32
      %dma_start3A_459 = tpu.memref_slice %arg4[%arg0, %arg1, %run_scoped3A_3, %dma_start3A_458] : memref<2x16x8x128xi32, #tpu.memory_space<hbm>> -> memref<1x1x1x128xi32, #tpu.memory_space<hbm>>
      %dma_start3A_460 = tpu.memref_squeeze %dma_start3A_459 : memref<1x1x1x128xi32, #tpu.memory_space<hbm>> -> memref<128xi32, #tpu.memory_space<hbm>>
      tpu.enqueue_dma source(%dma_start3A_460 : memref<128xi32, #tpu.memory_space<hbm>>) target(%arg13 : memref<128xi32, #tpu.memory_space<vmem>>) target_semaphore(%run_scoped3A_454 : memref<!tpu.dma_semaphore, #tpu.memory_space<semaphore_mem>>)
      %dma_wait3A_461 = arith.constant 0 : i32
      %dma_wait3A_462 = tpu.memref_slice %arg4[%arg0, %arg1, %run_scoped3A_3, %dma_wait3A_461] : memref<2x16x8x128xi32, #tpu.memory_space<hbm>> -> memref<1x1x1x128xi32, #tpu.memory_space<hbm>>
      %dma_wait3A_463 = tpu.memref_squeeze %dma_wait3A_462 : memref<1x1x1x128xi32, #tpu.memory_space<hbm>> -> memref<128xi32, #tpu.memory_space<hbm>>
      %dma_wait3A_464 = arith.constant 0 : i32
      %dma_wait3A_465 = tpu.memref_slice %arg4[%arg0, %arg1, %run_scoped3A_3, %dma_wait3A_464] : memref<2x16x8x128xi32, #tpu.memory_space<hbm>> -> memref<1x1x1x128xi32, #tpu.memory_space<hbm>>
      %dma_wait3A_466 = tpu.memref_squeeze %dma_wait3A_465 : memref<1x1x1x128xi32, #tpu.memory_space<hbm>> -> memref<128xi32, #tpu.memory_space<hbm>>
      tpu.wait_dma2 semaphore(%run_scoped3A_454 : memref<!tpu.dma_semaphore, #tpu.memory_space<semaphore_mem>>) src(%dma_wait3A_466 : memref<128xi32, #tpu.memory_space<hbm>>) dst(%arg13 : memref<128xi32, #tpu.memory_space<vmem>>)
      tpu.yield
    }) : () -> ()
    %run_scoped3A_4 = arith.constant 2 : i32
    "tpu.region"() ({
      %run_scoped3A_454 = tpu.sem_alloc : memref<!tpu.dma_semaphore, #tpu.memory_space<semaphore_mem>>
      %dma_start3A_455 = arith.constant 0 : i32
      %dma_start3A_456 = tpu.memref_slice %arg4[%arg0, %arg1, %run_scoped3A_4, %dma_start3A_455] : memref<2x16x8x128xi32, #tpu.memory_space<hbm>> -> memref<1x1x1x128xi32, #tpu.memory_space<hbm>>
      %dma_start3A_457 = tpu.memref_squeeze %dma_start3A_456 : memref<1x1x1x128xi32, #tpu.memory_space<hbm>> -> memref<128xi32, #tpu.memory_space<hbm>>
      %dma_start3A_458 = arith.constant 0 : i32
      %dma_start3A_459 = tpu.memref_slice %arg4[%arg0, %arg1, %run_scoped3A_4, %dma_start3A_458] : memref<2x16x8x128xi32, #tpu.memory_space<hbm>> -> memref<1x1x1x128xi32, #tpu.memory_space<hbm>>
      %dma_start3A_460 = tpu.memref_squeeze %dma_start3A_459 : memref<1x1x1x128xi32, #tpu.memory_space<hbm>> -> memref<128xi32, #tpu.memory_space<hbm>>
      tpu.enqueue_dma source(%dma_start3A_460 : memref<128xi32, #tpu.memory_space<hbm>>) target(%arg14 : memref<128xi32, #tpu.memory_space<vmem>>) target_semaphore(%run_scoped3A_454 : memref<!tpu.dma_semaphore, #tpu.memory_space<semaphore_mem>>)
      %dma_wait3A_461 = arith.constant 0 : i32
      %dma_wait3A_462 = tpu.memref_slice %arg4[%arg0, %arg1, %run_scoped3A_4, %dma_wait3A_461] : memref<2x16x8x128xi32, #tpu.memory_space<hbm>> -> memref<1x1x1x128xi32, #tpu.memory_space<hbm>>
      %dma_wait3A_463 = tpu.memref_squeeze %dma_wait3A_462 : memref<1x1x1x128xi32, #tpu.memory_space<hbm>> -> memref<128xi32, #tpu.memory_space<hbm>>
      %dma_wait3A_464 = arith.constant 0 : i32
      %dma_wait3A_465 = tpu.memref_slice %arg4[%arg0, %arg1, %run_scoped3A_4, %dma_wait3A_464] : memref<2x16x8x128xi32, #tpu.memory_space<hbm>> -> memref<1x1x1x128xi32, #tpu.memory_space<hbm>>
      %dma_wait3A_466 = tpu.memref_squeeze %dma_wait3A_465 : memref<1x1x1x128xi32, #tpu.memory_space<hbm>> -> memref<128xi32, #tpu.memory_space<hbm>>
      tpu.wait_dma2 semaphore(%run_scoped3A_454 : memref<!tpu.dma_semaphore, #tpu.memory_space<semaphore_mem>>) src(%dma_wait3A_466 : memref<128xi32, #tpu.memory_space<hbm>>) dst(%arg14 : memref<128xi32, #tpu.memory_space<vmem>>)
      tpu.yield
    }) : () -> ()
    %run_scoped3A_5 = arith.constant 3 : i32
    "tpu.region"() ({
      %run_scoped3A_454 = tpu.sem_alloc : memref<!tpu.dma_semaphore, #tpu.memory_space<semaphore_mem>>
      %dma_start3A_455 = arith.constant 0 : i32
      %dma_start3A_456 = tpu.memref_slice %arg4[%arg0, %arg1, %run_scoped3A_5, %dma_start3A_455] : memref<2x16x8x128xi32, #tpu.memory_space<hbm>> -> memref<1x1x1x128xi32, #tpu.memory_space<hbm>>
      %dma_start3A_457 = tpu.memref_squeeze %dma_start3A_456 : memref<1x1x1x128xi32, #tpu.memory_space<hbm>> -> memref<128xi32, #tpu.memory_space<hbm>>
      %dma_start3A_458 = arith.constant 0 : i32
      %dma_start3A_459 = tpu.memref_slice %arg4[%arg0, %arg1, %run_scoped3A_5, %dma_start3A_458] : memref<2x16x8x128xi32, #tpu.memory_space<hbm>> -> memref<1x1x1x128xi32, #tpu.memory_space<hbm>>
      %dma_start3A_460 = tpu.memref_squeeze %dma_start3A_459 : memref<1x1x1x128xi32, #tpu.memory_space<hbm>> -> memref<128xi32, #tpu.memory_space<hbm>>
      tpu.enqueue_dma source(%dma_start3A_460 : memref<128xi32, #tpu.memory_space<hbm>>) target(%arg15 : memref<128xi32, #tpu.memory_space<vmem>>) target_semaphore(%run_scoped3A_454 : memref<!tpu.dma_semaphore, #tpu.memory_space<semaphore_mem>>)
      %dma_wait3A_461 = arith.constant 0 : i32
      %dma_wait3A_462 = tpu.memref_slice %arg4[%arg0, %arg1, %run_scoped3A_5, %dma_wait3A_461] : memref<2x16x8x128xi32, #tpu.memory_space<hbm>> -> memref<1x1x1x128xi32, #tpu.memory_space<hbm>>
      %dma_wait3A_463 = tpu.memref_squeeze %dma_wait3A_462 : memref<1x1x1x128xi32, #tpu.memory_space<hbm>> -> memref<128xi32, #tpu.memory_space<hbm>>
      %dma_wait3A_464 = arith.constant 0 : i32
      %dma_wait3A_465 = tpu.memref_slice %arg4[%arg0, %arg1, %run_scoped3A_5, %dma_wait3A_464] : memref<2x16x8x128xi32, #tpu.memory_space<hbm>> -> memref<1x1x1x128xi32, #tpu.memory_space<hbm>>
      %dma_wait3A_466 = tpu.memref_squeeze %dma_wait3A_465 : memref<1x1x1x128xi32, #tpu.memory_space<hbm>> -> memref<128xi32, #tpu.memory_space<hbm>>
      tpu.wait_dma2 semaphore(%run_scoped3A_454 : memref<!tpu.dma_semaphore, #tpu.memory_space<semaphore_mem>>) src(%dma_wait3A_466 : memref<128xi32, #tpu.memory_space<hbm>>) dst(%arg15 : memref<128xi32, #tpu.memory_space<vmem>>)
      tpu.yield
    }) : () -> ()
    %run_scoped3A_6 = arith.constant 4 : i32
    "tpu.region"() ({
      %run_scoped3A_454 = tpu.sem_alloc : memref<!tpu.dma_semaphore, #tpu.memory_space<semaphore_mem>>
      %dma_start3A_455 = arith.constant 0 : i32
      %dma_start3A_456 = tpu.memref_slice %arg4[%arg0, %arg1, %run_scoped3A_6, %dma_start3A_455] : memref<2x16x8x128xi32, #tpu.memory_space<hbm>> -> memref<1x1x1x128xi32, #tpu.memory_space<hbm>>
      %dma_start3A_457 = tpu.memref_squeeze %dma_start3A_456 : memref<1x1x1x128xi32, #tpu.memory_space<hbm>> -> memref<128xi32, #tpu.memory_space<hbm>>
      %dma_start3A_458 = arith.constant 0 : i32
      %dma_start3A_459 = tpu.memref_slice %arg4[%arg0, %arg1, %run_scoped3A_6, %dma_start3A_458] : memref<2x16x8x128xi32, #tpu.memory_space<hbm>> -> memref<1x1x1x128xi32, #tpu.memory_space<hbm>>
      %dma_start3A_460 = tpu.memref_squeeze %dma_start3A_459 : memref<1x1x1x128xi32, #tpu.memory_space<hbm>> -> memref<128xi32, #tpu.memory_space<hbm>>
      tpu.enqueue_dma source(%dma_start3A_460 : memref<128xi32, #tpu.memory_space<hbm>>) target(%arg16 : memref<128xi32, #tpu.memory_space<vmem>>) target_semaphore(%run_scoped3A_454 : memref<!tpu.dma_semaphore, #tpu.memory_space<semaphore_mem>>)
      %dma_wait3A_461 = arith.constant 0 : i32
      %dma_wait3A_462 = tpu.memref_slice %arg4[%arg0, %arg1, %run_scoped3A_6, %dma_wait3A_461] : memref<2x16x8x128xi32, #tpu.memory_space<hbm>> -> memref<1x1x1x128xi32, #tpu.memory_space<hbm>>
      %dma_wait3A_463 = tpu.memref_squeeze %dma_wait3A_462 : memref<1x1x1x128xi32, #tpu.memory_space<hbm>> -> memref<128xi32, #tpu.memory_space<hbm>>
      %dma_wait3A_464 = arith.constant 0 : i32
      %dma_wait3A_465 = tpu.memref_slice %arg4[%arg0, %arg1, %run_scoped3A_6, %dma_wait3A_464] : memref<2x16x8x128xi32, #tpu.memory_space<hbm>> -> memref<1x1x1x128xi32, #tpu.memory_space<hbm>>
      %dma_wait3A_466 = tpu.memref_squeeze %dma_wait3A_465 : memref<1x1x1x128xi32, #tpu.memory_space<hbm>> -> memref<128xi32, #tpu.memory_space<hbm>>
      tpu.wait_dma2 semaphore(%run_scoped3A_454 : memref<!tpu.dma_semaphore, #tpu.memory_space<semaphore_mem>>) src(%dma_wait3A_466 : memref<128xi32, #tpu.memory_space<hbm>>) dst(%arg16 : memref<128xi32, #tpu.memory_space<vmem>>)
      tpu.yield
    }) : () -> ()
    %run_scoped3A_7 = arith.constant 5 : i32
    "tpu.region"() ({
      %run_scoped3A_454 = tpu.sem_alloc : memref<!tpu.dma_semaphore, #tpu.memory_space<semaphore_mem>>
      %dma_start3A_455 = arith.constant 0 : i32
      %dma_start3A_456 = tpu.memref_slice %arg4[%arg0, %arg1, %run_scoped3A_7, %dma_start3A_455] : memref<2x16x8x128xi32, #tpu.memory_space<hbm>> -> memref<1x1x1x128xi32, #tpu.memory_space<hbm>>
      %dma_start3A_457 = tpu.memref_squeeze %dma_start3A_456 : memref<1x1x1x128xi32, #tpu.memory_space<hbm>> -> memref<128xi32, #tpu.memory_space<hbm>>
      %dma_start3A_458 = arith.constant 0 : i32
      %dma_start3A_459 = tpu.memref_slice %arg4[%arg0, %arg1, %run_scoped3A_7, %dma_start3A_458] : memref<2x16x8x128xi32, #tpu.memory_space<hbm>> -> memref<1x1x1x128xi32, #tpu.memory_space<hbm>>
      %dma_start3A_460 = tpu.memref_squeeze %dma_start3A_459 : memref<1x1x1x128xi32, #tpu.memory_space<hbm>> -> memref<128xi32, #tpu.memory_space<hbm>>
      tpu.enqueue_dma source(%dma_start3A_460 : memref<128xi32, #tpu.memory_space<hbm>>) target(%arg17 : memref<128xi32, #tpu.memory_space<vmem>>) target_semaphore(%run_scoped3A_454 : memref<!tpu.dma_semaphore, #tpu.memory_space<semaphore_mem>>)
      %dma_wait3A_461 = arith.constant 0 : i32
      %dma_wait3A_462 = tpu.memref_slice %arg4[%arg0, %arg1, %run_scoped3A_7, %dma_wait3A_461] : memref<2x16x8x128xi32, #tpu.memory_space<hbm>> -> memref<1x1x1x128xi32, #tpu.memory_space<hbm>>
      %dma_wait3A_463 = tpu.memref_squeeze %dma_wait3A_462 : memref<1x1x1x128xi32, #tpu.memory_space<hbm>> -> memref<128xi32, #tpu.memory_space<hbm>>
      %dma_wait3A_464 = arith.constant 0 : i32
      %dma_wait3A_465 = tpu.memref_slice %arg4[%arg0, %arg1, %run_scoped3A_7, %dma_wait3A_464] : memref<2x16x8x128xi32, #tpu.memory_space<hbm>> -> memref<1x1x1x128xi32, #tpu.memory_space<hbm>>
      %dma_wait3A_466 = tpu.memref_squeeze %dma_wait3A_465 : memref<1x1x1x128xi32, #tpu.memory_space<hbm>> -> memref<128xi32, #tpu.memory_space<hbm>>
      tpu.wait_dma2 semaphore(%run_scoped3A_454 : memref<!tpu.dma_semaphore, #tpu.memory_space<semaphore_mem>>) src(%dma_wait3A_466 : memref<128xi32, #tpu.memory_space<hbm>>) dst(%arg17 : memref<128xi32, #tpu.memory_space<vmem>>)
      tpu.yield
    }) : () -> ()
    %run_scoped3A_8 = arith.constant 6 : i32
    "tpu.region"() ({
      %run_scoped3A_454 = tpu.sem_alloc : memref<!tpu.dma_semaphore, #tpu.memory_space<semaphore_mem>>
      %dma_start3A_455 = arith.constant 0 : i32
      %dma_start3A_456 = tpu.memref_slice %arg4[%arg0, %arg1, %run_scoped3A_8, %dma_start3A_455] : memref<2x16x8x128xi32, #tpu.memory_space<hbm>> -> memref<1x1x1x128xi32, #tpu.memory_space<hbm>>
      %dma_start3A_457 = tpu.memref_squeeze %dma_start3A_456 : memref<1x1x1x128xi32, #tpu.memory_space<hbm>> -> memref<128xi32, #tpu.memory_space<hbm>>
      %dma_start3A_458 = arith.constant 0 : i32
      %dma_start3A_459 = tpu.memref_slice %arg4[%arg0, %arg1, %run_scoped3A_8, %dma_start3A_458] : memref<2x16x8x128xi32, #tpu.memory_space<hbm>> -> memref<1x1x1x128xi32, #tpu.memory_space<hbm>>
      %dma_start3A_460 = tpu.memref_squeeze %dma_start3A_459 : memref<1x1x1x128xi32, #tpu.memory_space<hbm>> -> memref<128xi32, #tpu.memory_space<hbm>>
      tpu.enqueue_dma source(%dma_start3A_460 : memref<128xi32, #tpu.memory_space<hbm>>) target(%arg18 : memref<128xi32, #tpu.memory_space<vmem>>) target_semaphore(%run_scoped3A_454 : memref<!tpu.dma_semaphore, #tpu.memory_space<semaphore_mem>>)
      %dma_wait3A_461 = arith.constant 0 : i32
      %dma_wait3A_462 = tpu.memref_slice %arg4[%arg0, %arg1, %run_scoped3A_8, %dma_wait3A_461] : memref<2x16x8x128xi32, #tpu.memory_space<hbm>> -> memref<1x1x1x128xi32, #tpu.memory_space<hbm>>
      %dma_wait3A_463 = tpu.memref_squeeze %dma_wait3A_462 : memref<1x1x1x128xi32, #tpu.memory_space<hbm>> -> memref<128xi32, #tpu.memory_space<hbm>>
      %dma_wait3A_464 = arith.constant 0 : i32
      %dma_wait3A_465 = tpu.memref_slice %arg4[%arg0, %arg1, %run_scoped3A_8, %dma_wait3A_464] : memref<2x16x8x128xi32, #tpu.memory_space<hbm>> -> memref<1x1x1x128xi32, #tpu.memory_space<hbm>>
      %dma_wait3A_466 = tpu.memref_squeeze %dma_wait3A_465 : memref<1x1x1x128xi32, #tpu.memory_space<hbm>> -> memref<128xi32, #tpu.memory_space<hbm>>
      tpu.wait_dma2 semaphore(%run_scoped3A_454 : memref<!tpu.dma_semaphore, #tpu.memory_space<semaphore_mem>>) src(%dma_wait3A_466 : memref<128xi32, #tpu.memory_space<hbm>>) dst(%arg18 : memref<128xi32, #tpu.memory_space<vmem>>)
      tpu.yield
    }) : () -> ()
    %run_scoped3A_9 = arith.constant 7 : i32
    "tpu.region"() ({
      %run_scoped3A_454 = tpu.sem_alloc : memref<!tpu.dma_semaphore, #tpu.memory_space<semaphore_mem>>
      %dma_start3A_455 = arith.constant 0 : i32
      %dma_start3A_456 = tpu.memref_slice %arg4[%arg0, %arg1, %run_scoped3A_9, %dma_start3A_455] : memref<2x16x8x128xi32, #tpu.memory_space<hbm>> -> memref<1x1x1x128xi32, #tpu.memory_space<hbm>>
      %dma_start3A_457 = tpu.memref_squeeze %dma_start3A_456 : memref<1x1x1x128xi32, #tpu.memory_space<hbm>> -> memref<128xi32, #tpu.memory_space<hbm>>
      %dma_start3A_458 = arith.constant 0 : i32
      %dma_start3A_459 = tpu.memref_slice %arg4[%arg0, %arg1, %run_scoped3A_9, %dma_start3A_458] : memref<2x16x8x128xi32, #tpu.memory_space<hbm>> -> memref<1x1x1x128xi32, #tpu.memory_space<hbm>>
      %dma_start3A_460 = tpu.memref_squeeze %dma_start3A_459 : memref<1x1x1x128xi32, #tpu.memory_space<hbm>> -> memref<128xi32, #tpu.memory_space<hbm>>
      tpu.enqueue_dma source(%dma_start3A_460 : memref<128xi32, #tpu.memory_space<hbm>>) target(%arg19 : memref<128xi32, #tpu.memory_space<vmem>>) target_semaphore(%run_scoped3A_454 : memref<!tpu.dma_semaphore, #tpu.memory_space<semaphore_mem>>)
      %dma_wait3A_461 = arith.constant 0 : i32
      %dma_wait3A_462 = tpu.memref_slice %arg4[%arg0, %arg1, %run_scoped3A_9, %dma_wait3A_461] : memref<2x16x8x128xi32, #tpu.memory_space<hbm>> -> memref<1x1x1x128xi32, #tpu.memory_space<hbm>>
      %dma_wait3A_463 = tpu.memref_squeeze %dma_wait3A_462 : memref<1x1x1x128xi32, #tpu.memory_space<hbm>> -> memref<128xi32, #tpu.memory_space<hbm>>
      %dma_wait3A_464 = arith.constant 0 : i32
      %dma_wait3A_465 = tpu.memref_slice %arg4[%arg0, %arg1, %run_scoped3A_9, %dma_wait3A_464] : memref<2x16x8x128xi32, #tpu.memory_space<hbm>> -> memref<1x1x1x128xi32, #tpu.memory_space<hbm>>
      %dma_wait3A_466 = tpu.memref_squeeze %dma_wait3A_465 : memref<1x1x1x128xi32, #tpu.memory_space<hbm>> -> memref<128xi32, #tpu.memory_space<hbm>>
      tpu.wait_dma2 semaphore(%run_scoped3A_454 : memref<!tpu.dma_semaphore, #tpu.memory_space<semaphore_mem>>) src(%dma_wait3A_466 : memref<128xi32, #tpu.memory_space<hbm>>) dst(%arg19 : memref<128xi32, #tpu.memory_space<vmem>>)
      tpu.yield
    }) : () -> ()
    "tpu.region"() ({
      %run_scoped3A_454 = tpu.sem_alloc : memref<!tpu.dma_semaphore, #tpu.memory_space<semaphore_mem>>
      %dma_start3A_455 = arith.constant 0 : i32
      %dma_start3A_456 = arith.constant 0 : i32
      %dma_start3A_457 = tpu.memref_slice %arg5[%arg0, %arg1, %dma_start3A_455, %dma_start3A_456] : memref<2x16x8x128xi32, #tpu.memory_space<hbm>> -> memref<1x1x8x128xi32, #tpu.memory_space<hbm>>
      %dma_start3A_458 = tpu.memref_squeeze %dma_start3A_457 : memref<1x1x8x128xi32, #tpu.memory_space<hbm>> -> memref<8x128xi32, #tpu.memory_space<hbm>>
      %dma_start3A_459 = arith.constant 0 : i32
      %dma_start3A_460 = arith.constant 0 : i32
      %dma_start3A_461 = tpu.memref_slice %arg5[%arg0, %arg1, %dma_start3A_459, %dma_start3A_460] : memref<2x16x8x128xi32, #tpu.memory_space<hbm>> -> memref<1x1x8x128xi32, #tpu.memory_space<hbm>>
      %dma_start3A_462 = tpu.memref_squeeze %dma_start3A_461 : memref<1x1x8x128xi32, #tpu.memory_space<hbm>> -> memref<8x128xi32, #tpu.memory_space<hbm>>
      tpu.enqueue_dma source(%dma_start3A_462 : memref<8x128xi32, #tpu.memory_space<hbm>>) target(%arg20 : memref<8x128xi32, #tpu.memory_space<vmem>>) target_semaphore(%run_scoped3A_454 : memref<!tpu.dma_semaphore, #tpu.memory_space<semaphore_mem>>)
      %dma_wait3A_463 = arith.constant 0 : i32
      %dma_wait3A_464 = arith.constant 0 : i32
      %dma_wait3A_465 = tpu.memref_slice %arg5[%arg0, %arg1, %dma_wait3A_463, %dma_wait3A_464] : memref<2x16x8x128xi32, #tpu.memory_space<hbm>> -> memref<1x1x8x128xi32, #tpu.memory_space<hbm>>
      %dma_wait3A_466 = tpu.memref_squeeze %dma_wait3A_465 : memref<1x1x8x128xi32, #tpu.memory_space<hbm>> -> memref<8x128xi32, #tpu.memory_space<hbm>>
      %dma_wait3A_467 = arith.constant 0 : i32
      %dma_wait3A_468 = arith.constant 0 : i32
      %dma_wait3A_469 = tpu.memref_slice %arg5[%arg0, %arg1, %dma_wait3A_467, %dma_wait3A_468] : memref<2x16x8x128xi32, #tpu.memory_space<hbm>> -> memref<1x1x8x128xi32, #tpu.memory_space<hbm>>
      %dma_wait3A_470 = tpu.memref_squeeze %dma_wait3A_469 : memref<1x1x8x128xi32, #tpu.memory_space<hbm>> -> memref<8x128xi32, #tpu.memory_space<hbm>>
      tpu.wait_dma2 semaphore(%run_scoped3A_454 : memref<!tpu.dma_semaphore, #tpu.memory_space<semaphore_mem>>) src(%dma_wait3A_470 : memref<8x128xi32, #tpu.memory_space<hbm>>) dst(%arg20 : memref<8x128xi32, #tpu.memory_space<vmem>>)
      tpu.yield
    }) : () -> ()
    "tpu.region"() ({
      %run_scoped3A_454 = tpu.sem_alloc : memref<!tpu.dma_semaphore, #tpu.memory_space<semaphore_mem>>
      %dma_start3A_455 = arith.constant 0 : i32
      %dma_start3A_456 = arith.constant 0 : i32
      %dma_start3A_457 = tpu.memref_slice %arg6[%arg0, %arg1, %dma_start3A_455, %dma_start3A_456] : memref<2x16x8x128xf32, #tpu.memory_space<hbm>> -> memref<1x1x8x128xf32, #tpu.memory_space<hbm>>
      %dma_start3A_458 = tpu.memref_squeeze %dma_start3A_457 : memref<1x1x8x128xf32, #tpu.memory_space<hbm>> -> memref<8x128xf32, #tpu.memory_space<hbm>>
      %dma_start3A_459 = arith.constant 0 : i32
      %dma_start3A_460 = arith.constant 0 : i32
      %dma_start3A_461 = tpu.memref_slice %arg6[%arg0, %arg1, %dma_start3A_459, %dma_start3A_460] : memref<2x16x8x128xf32, #tpu.memory_space<hbm>> -> memref<1x1x8x128xf32, #tpu.memory_space<hbm>>
      %dma_start3A_462 = tpu.memref_squeeze %dma_start3A_461 : memref<1x1x8x128xf32, #tpu.memory_space<hbm>> -> memref<8x128xf32, #tpu.memory_space<hbm>>
      tpu.enqueue_dma source(%dma_start3A_462 : memref<8x128xf32, #tpu.memory_space<hbm>>) target(%arg21 : memref<8x128xf32, #tpu.memory_space<vmem>>) target_semaphore(%run_scoped3A_454 : memref<!tpu.dma_semaphore, #tpu.memory_space<semaphore_mem>>)
      %dma_wait3A_463 = arith.constant 0 : i32
      %dma_wait3A_464 = arith.constant 0 : i32
      %dma_wait3A_465 = tpu.memref_slice %arg6[%arg0, %arg1, %dma_wait3A_463, %dma_wait3A_464] : memref<2x16x8x128xf32, #tpu.memory_space<hbm>> -> memref<1x1x8x128xf32, #tpu.memory_space<hbm>>
      %dma_wait3A_466 = tpu.memref_squeeze %dma_wait3A_465 : memref<1x1x8x128xf32, #tpu.memory_space<hbm>> -> memref<8x128xf32, #tpu.memory_space<hbm>>
      %dma_wait3A_467 = arith.constant 0 : i32
      %dma_wait3A_468 = arith.constant 0 : i32
      %dma_wait3A_469 = tpu.memref_slice %arg6[%arg0, %arg1, %dma_wait3A_467, %dma_wait3A_468] : memref<2x16x8x128xf32, #tpu.memory_space<hbm>> -> memref<1x1x8x128xf32, #tpu.memory_space<hbm>>
      %dma_wait3A_470 = tpu.memref_squeeze %dma_wait3A_469 : memref<1x1x8x128xf32, #tpu.memory_space<hbm>> -> memref<8x128xf32, #tpu.memory_space<hbm>>
      tpu.wait_dma2 semaphore(%run_scoped3A_454 : memref<!tpu.dma_semaphore, #tpu.memory_space<semaphore_mem>>) src(%dma_wait3A_470 : memref<8x128xf32, #tpu.memory_space<hbm>>) dst(%arg21 : memref<8x128xf32, #tpu.memory_space<vmem>>)
      tpu.yield
    }) : () -> ()
    %run_scoped3A_10 = arith.constant 0 : i32
    "tpu.region"() ({
      %run_scoped3A_454 = tpu.sem_alloc : memref<!tpu.dma_semaphore, #tpu.memory_space<semaphore_mem>>
      %dma_start3A_455 = arith.constant 0 : i32
      %dma_start3A_456 = tpu.memref_slice %arg20[%run_scoped3A_10, %dma_start3A_455] : memref<8x128xi32, #tpu.memory_space<vmem>> -> memref<1x128xi32, #tpu.memory_space<vmem>>
      %dma_start3A_457 = tpu.memref_squeeze %dma_start3A_456 : memref<1x128xi32, #tpu.memory_space<vmem>> -> memref<128xi32, #tpu.memory_space<vmem>>
      %dma_start3A_458 = arith.constant 0 : i32
      %dma_start3A_459 = tpu.memref_slice %arg22[%dma_start3A_458] : memref<16384xi32, #tpu.memory_space<vmem_shared>> -> memref<16384xi32, #tpu.memory_space<vmem_shared>>
      tpu.enqueue_indirect_dma source(%dma_start3A_457 : memref<128xi32, #tpu.memory_space<vmem>>) target(%dma_start3A_459 : memref<16384xi32, #tpu.memory_space<vmem_shared>>) offsets(%arg12 : memref<128xi32, #tpu.memory_space<vmem>>) semaphore(%run_scoped3A_454 : memref<!tpu.dma_semaphore, #tpu.memory_space<semaphore_mem>>)
      %dma_wait3A_460 = arith.constant 0 : i32
      %dma_wait3A_461 = tpu.memref_slice %arg20[%run_scoped3A_10, %dma_wait3A_460] : memref<8x128xi32, #tpu.memory_space<vmem>> -> memref<1x128xi32, #tpu.memory_space<vmem>>
      %dma_wait3A_462 = tpu.memref_squeeze %dma_wait3A_461 : memref<1x128xi32, #tpu.memory_space<vmem>> -> memref<128xi32, #tpu.memory_space<vmem>>
      %dma_wait3A_463 = arith.constant 0 : i32
      %dma_wait3A_464 = tpu.memref_slice %arg22[%dma_wait3A_463] : memref<16384xi32, #tpu.memory_space<vmem_shared>> -> memref<16384xi32, #tpu.memory_space<vmem_shared>>
      tpu.wait_indirect_dma semaphore(%run_scoped3A_454 : memref<!tpu.dma_semaphore, #tpu.memory_space<semaphore_mem>>) src(%dma_wait3A_462 : memref<128xi32, #tpu.memory_space<vmem>>) dst(%dma_wait3A_464 : memref<16384xi32, #tpu.memory_space<vmem_shared>>)
      tpu.yield
    }) : () -> ()
    %run_scoped3A_11 = arith.constant 0 : i32
    "tpu.region"() ({
      %run_scoped3A_454 = tpu.sem_alloc : memref<!tpu.dma_semaphore, #tpu.memory_space<semaphore_mem>>
      %dma_start3A_455 = arith.constant 0 : i32
      %dma_start3A_456 = tpu.memref_slice %arg21[%run_scoped3A_11, %dma_start3A_455] : memref<8x128xf32, #tpu.memory_space<vmem>> -> memref<1x128xf32, #tpu.memory_space<vmem>>
      %dma_start3A_457 = tpu.memref_squeeze %dma_start3A_456 : memref<1x128xf32, #tpu.memory_space<vmem>> -> memref<128xf32, #tpu.memory_space<vmem>>
      %dma_start3A_458 = arith.constant 0 : i32
      %dma_start3A_459 = tpu.memref_slice %arg23[%dma_start3A_458] : memref<16384xf32, #tpu.memory_space<vmem_shared>> -> memref<16384xf32, #tpu.memory_space<vmem_shared>>
      tpu.enqueue_indirect_dma source(%dma_start3A_457 : memref<128xf32, #tpu.memory_space<vmem>>) target(%dma_start3A_459 : memref<16384xf32, #tpu.memory_space<vmem_shared>>) offsets(%arg12 : memref<128xi32, #tpu.memory_space<vmem>>) semaphore(%run_scoped3A_454 : memref<!tpu.dma_semaphore, #tpu.memory_space<semaphore_mem>>)
      %dma_wait3A_460 = arith.constant 0 : i32
      %dma_wait3A_461 = tpu.memref_slice %arg21[%run_scoped3A_11, %dma_wait3A_460] : memref<8x128xf32, #tpu.memory_space<vmem>> -> memref<1x128xf32, #tpu.memory_space<vmem>>
      %dma_wait3A_462 = tpu.memref_squeeze %dma_wait3A_461 : memref<1x128xf32, #tpu.memory_space<vmem>> -> memref<128xf32, #tpu.memory_space<vmem>>
      %dma_wait3A_463 = arith.constant 0 : i32
      %dma_wait3A_464 = tpu.memref_slice %arg23[%dma_wait3A_463] : memref<16384xf32, #tpu.memory_space<vmem_shared>> -> memref<16384xf32, #tpu.memory_space<vmem_shared>>
      tpu.wait_indirect_dma semaphore(%run_scoped3A_454 : memref<!tpu.dma_semaphore, #tpu.memory_space<semaphore_mem>>) src(%dma_wait3A_462 : memref<128xf32, #tpu.memory_space<vmem>>) dst(%dma_wait3A_464 : memref<16384xf32, #tpu.memory_space<vmem_shared>>)
      tpu.yield
    }) : () -> ()
    %run_scoped3A_12 = arith.constant 1 : i32
    "tpu.region"() ({
      %run_scoped3A_454 = tpu.sem_alloc : memref<!tpu.dma_semaphore, #tpu.memory_space<semaphore_mem>>
      %dma_start3A_455 = arith.constant 0 : i32
      %dma_start3A_456 = tpu.memref_slice %arg20[%run_scoped3A_12, %dma_start3A_455] : memref<8x128xi32, #tpu.memory_space<vmem>> -> memref<1x128xi32, #tpu.memory_space<vmem>>
      %dma_start3A_457 = tpu.memref_squeeze %dma_start3A_456 : memref<1x128xi32, #tpu.memory_space<vmem>> -> memref<128xi32, #tpu.memory_space<vmem>>
      %dma_start3A_458 = arith.constant 0 : i32
      %dma_start3A_459 = tpu.memref_slice %arg22[%dma_start3A_458] : memref<16384xi32, #tpu.memory_space<vmem_shared>> -> memref<16384xi32, #tpu.memory_space<vmem_shared>>
      tpu.enqueue_indirect_dma source(%dma_start3A_457 : memref<128xi32, #tpu.memory_space<vmem>>) target(%dma_start3A_459 : memref<16384xi32, #tpu.memory_space<vmem_shared>>) offsets(%arg13 : memref<128xi32, #tpu.memory_space<vmem>>) semaphore(%run_scoped3A_454 : memref<!tpu.dma_semaphore, #tpu.memory_space<semaphore_mem>>)
      %dma_wait3A_460 = arith.constant 0 : i32
      %dma_wait3A_461 = tpu.memref_slice %arg20[%run_scoped3A_12, %dma_wait3A_460] : memref<8x128xi32, #tpu.memory_space<vmem>> -> memref<1x128xi32, #tpu.memory_space<vmem>>
      %dma_wait3A_462 = tpu.memref_squeeze %dma_wait3A_461 : memref<1x128xi32, #tpu.memory_space<vmem>> -> memref<128xi32, #tpu.memory_space<vmem>>
      %dma_wait3A_463 = arith.constant 0 : i32
      %dma_wait3A_464 = tpu.memref_slice %arg22[%dma_wait3A_463] : memref<16384xi32, #tpu.memory_space<vmem_shared>> -> memref<16384xi32, #tpu.memory_space<vmem_shared>>
      tpu.wait_indirect_dma semaphore(%run_scoped3A_454 : memref<!tpu.dma_semaphore, #tpu.memory_space<semaphore_mem>>) src(%dma_wait3A_462 : memref<128xi32, #tpu.memory_space<vmem>>) dst(%dma_wait3A_464 : memref<16384xi32, #tpu.memory_space<vmem_shared>>)
      tpu.yield
    }) : () -> ()
    %run_scoped3A_13 = arith.constant 1 : i32
    "tpu.region"() ({
      %run_scoped3A_454 = tpu.sem_alloc : memref<!tpu.dma_semaphore, #tpu.memory_space<semaphore_mem>>
      %dma_start3A_455 = arith.constant 0 : i32
      %dma_start3A_456 = tpu.memref_slice %arg21[%run_scoped3A_13, %dma_start3A_455] : memref<8x128xf32, #tpu.memory_space<vmem>> -> memref<1x128xf32, #tpu.memory_space<vmem>>
      %dma_start3A_457 = tpu.memref_squeeze %dma_start3A_456 : memref<1x128xf32, #tpu.memory_space<vmem>> -> memref<128xf32, #tpu.memory_space<vmem>>
      %dma_start3A_458 = arith.constant 0 : i32
      %dma_start3A_459 = tpu.memref_slice %arg23[%dma_start3A_458] : memref<16384xf32, #tpu.memory_space<vmem_shared>> -> memref<16384xf32, #tpu.memory_space<vmem_shared>>
      tpu.enqueue_indirect_dma source(%dma_start3A_457 : memref<128xf32, #tpu.memory_space<vmem>>) target(%dma_start3A_459 : memref<16384xf32, #tpu.memory_space<vmem_shared>>) offsets(%arg13 : memref<128xi32, #tpu.memory_space<vmem>>) semaphore(%run_scoped3A_454 : memref<!tpu.dma_semaphore, #tpu.memory_space<semaphore_mem>>)
      %dma_wait3A_460 = arith.constant 0 : i32
      %dma_wait3A_461 = tpu.memref_slice %arg21[%run_scoped3A_13, %dma_wait3A_460] : memref<8x128xf32, #tpu.memory_space<vmem>> -> memref<1x128xf32, #tpu.memory_space<vmem>>
      %dma_wait3A_462 = tpu.memref_squeeze %dma_wait3A_461 : memref<1x128xf32, #tpu.memory_space<vmem>> -> memref<128xf32, #tpu.memory_space<vmem>>
      %dma_wait3A_463 = arith.constant 0 : i32
      %dma_wait3A_464 = tpu.memref_slice %arg23[%dma_wait3A_463] : memref<16384xf32, #tpu.memory_space<vmem_shared>> -> memref<16384xf32, #tpu.memory_space<vmem_shared>>
      tpu.wait_indirect_dma semaphore(%run_scoped3A_454 : memref<!tpu.dma_semaphore, #tpu.memory_space<semaphore_mem>>) src(%dma_wait3A_462 : memref<128xf32, #tpu.memory_space<vmem>>) dst(%dma_wait3A_464 : memref<16384xf32, #tpu.memory_space<vmem_shared>>)
      tpu.yield
    }) : () -> ()
    %run_scoped3A_14 = arith.constant 2 : i32
    "tpu.region"() ({
      %run_scoped3A_454 = tpu.sem_alloc : memref<!tpu.dma_semaphore, #tpu.memory_space<semaphore_mem>>
      %dma_start3A_455 = arith.constant 0 : i32
      %dma_start3A_456 = tpu.memref_slice %arg20[%run_scoped3A_14, %dma_start3A_455] : memref<8x128xi32, #tpu.memory_space<vmem>> -> memref<1x128xi32, #tpu.memory_space<vmem>>
      %dma_start3A_457 = tpu.memref_squeeze %dma_start3A_456 : memref<1x128xi32, #tpu.memory_space<vmem>> -> memref<128xi32, #tpu.memory_space<vmem>>
      %dma_start3A_458 = arith.constant 0 : i32
      %dma_start3A_459 = tpu.memref_slice %arg22[%dma_start3A_458] : memref<16384xi32, #tpu.memory_space<vmem_shared>> -> memref<16384xi32, #tpu.memory_space<vmem_shared>>
      tpu.enqueue_indirect_dma source(%dma_start3A_457 : memref<128xi32, #tpu.memory_space<vmem>>) target(%dma_start3A_459 : memref<16384xi32, #tpu.memory_space<vmem_shared>>) offsets(%arg14 : memref<128xi32, #tpu.memory_space<vmem>>) semaphore(%run_scoped3A_454 : memref<!tpu.dma_semaphore, #tpu.memory_space<semaphore_mem>>)
      %dma_wait3A_460 = arith.constant 0 : i32
      %dma_wait3A_461 = tpu.memref_slice %arg20[%run_scoped3A_14, %dma_wait3A_460] : memref<8x128xi32, #tpu.memory_space<vmem>> -> memref<1x128xi32, #tpu.memory_space<vmem>>
      %dma_wait3A_462 = tpu.memref_squeeze %dma_wait3A_461 : memref<1x128xi32, #tpu.memory_space<vmem>> -> memref<128xi32, #tpu.memory_space<vmem>>
      %dma_wait3A_463 = arith.constant 0 : i32
      %dma_wait3A_464 = tpu.memref_slice %arg22[%dma_wait3A_463] : memref<16384xi32, #tpu.memory_space<vmem_shared>> -> memref<16384xi32, #tpu.memory_space<vmem_shared>>
      tpu.wait_indirect_dma semaphore(%run_scoped3A_454 : memref<!tpu.dma_semaphore, #tpu.memory_space<semaphore_mem>>) src(%dma_wait3A_462 : memref<128xi32, #tpu.memory_space<vmem>>) dst(%dma_wait3A_464 : memref<16384xi32, #tpu.memory_space<vmem_shared>>)
      tpu.yield
    }) : () -> ()
    %run_scoped3A_15 = arith.constant 2 : i32
    "tpu.region"() ({
      %run_scoped3A_454 = tpu.sem_alloc : memref<!tpu.dma_semaphore, #tpu.memory_space<semaphore_mem>>
      %dma_start3A_455 = arith.constant 0 : i32
      %dma_start3A_456 = tpu.memref_slice %arg21[%run_scoped3A_15, %dma_start3A_455] : memref<8x128xf32, #tpu.memory_space<vmem>> -> memref<1x128xf32, #tpu.memory_space<vmem>>
      %dma_start3A_457 = tpu.memref_squeeze %dma_start3A_456 : memref<1x128xf32, #tpu.memory_space<vmem>> -> memref<128xf32, #tpu.memory_space<vmem>>
      %dma_start3A_458 = arith.constant 0 : i32
      %dma_start3A_459 = tpu.memref_slice %arg23[%dma_start3A_458] : memref<16384xf32, #tpu.memory_space<vmem_shared>> -> memref<16384xf32, #tpu.memory_space<vmem_shared>>
      tpu.enqueue_indirect_dma source(%dma_start3A_457 : memref<128xf32, #tpu.memory_space<vmem>>) target(%dma_start3A_459 : memref<16384xf32, #tpu.memory_space<vmem_shared>>) offsets(%arg14 : memref<128xi32, #tpu.memory_space<vmem>>) semaphore(%run_scoped3A_454 : memref<!tpu.dma_semaphore, #tpu.memory_space<semaphore_mem>>)
      %dma_wait3A_460 = arith.constant 0 : i32
      %dma_wait3A_461 = tpu.memref_slice %arg21[%run_scoped3A_15, %dma_wait3A_460] : memref<8x128xf32, #tpu.memory_space<vmem>> -> memref<1x128xf32, #tpu.memory_space<vmem>>
      %dma_wait3A_462 = tpu.memref_squeeze %dma_wait3A_461 : memref<1x128xf32, #tpu.memory_space<vmem>> -> memref<128xf32, #tpu.memory_space<vmem>>
      %dma_wait3A_463 = arith.constant 0 : i32
      %dma_wait3A_464 = tpu.memref_slice %arg23[%dma_wait3A_463] : memref<16384xf32, #tpu.memory_space<vmem_shared>> -> memref<16384xf32, #tpu.memory_space<vmem_shared>>
      tpu.wait_indirect_dma semaphore(%run_scoped3A_454 : memref<!tpu.dma_semaphore, #tpu.memory_space<semaphore_mem>>) src(%dma_wait3A_462 : memref<128xf32, #tpu.memory_space<vmem>>) dst(%dma_wait3A_464 : memref<16384xf32, #tpu.memory_space<vmem_shared>>)
      tpu.yield
    }) : () -> ()
    %run_scoped3A_16 = arith.constant 3 : i32
    "tpu.region"() ({
      %run_scoped3A_454 = tpu.sem_alloc : memref<!tpu.dma_semaphore, #tpu.memory_space<semaphore_mem>>
      %dma_start3A_455 = arith.constant 0 : i32
      %dma_start3A_456 = tpu.memref_slice %arg20[%run_scoped3A_16, %dma_start3A_455] : memref<8x128xi32, #tpu.memory_space<vmem>> -> memref<1x128xi32, #tpu.memory_space<vmem>>
      %dma_start3A_457 = tpu.memref_squeeze %dma_start3A_456 : memref<1x128xi32, #tpu.memory_space<vmem>> -> memref<128xi32, #tpu.memory_space<vmem>>
      %dma_start3A_458 = arith.constant 0 : i32
      %dma_start3A_459 = tpu.memref_slice %arg22[%dma_start3A_458] : memref<16384xi32, #tpu.memory_space<vmem_shared>> -> memref<16384xi32, #tpu.memory_space<vmem_shared>>
      tpu.enqueue_indirect_dma source(%dma_start3A_457 : memref<128xi32, #tpu.memory_space<vmem>>) target(%dma_start3A_459 : memref<16384xi32, #tpu.memory_space<vmem_shared>>) offsets(%arg15 : memref<128xi32, #tpu.memory_space<vmem>>) semaphore(%run_scoped3A_454 : memref<!tpu.dma_semaphore, #tpu.memory_space<semaphore_mem>>)
      %dma_wait3A_460 = arith.constant 0 : i32
      %dma_wait3A_461 = tpu.memref_slice %arg20[%run_scoped3A_16, %dma_wait3A_460] : memref<8x128xi32, #tpu.memory_space<vmem>> -> memref<1x128xi32, #tpu.memory_space<vmem>>
      %dma_wait3A_462 = tpu.memref_squeeze %dma_wait3A_461 : memref<1x128xi32, #tpu.memory_space<vmem>> -> memref<128xi32, #tpu.memory_space<vmem>>
      %dma_wait3A_463 = arith.constant 0 : i32
      %dma_wait3A_464 = tpu.memref_slice %arg22[%dma_wait3A_463] : memref<16384xi32, #tpu.memory_space<vmem_shared>> -> memref<16384xi32, #tpu.memory_space<vmem_shared>>
      tpu.wait_indirect_dma semaphore(%run_scoped3A_454 : memref<!tpu.dma_semaphore, #tpu.memory_space<semaphore_mem>>) src(%dma_wait3A_462 : memref<128xi32, #tpu.memory_space<vmem>>) dst(%dma_wait3A_464 : memref<16384xi32, #tpu.memory_space<vmem_shared>>)
      tpu.yield
    }) : () -> ()
    %run_scoped3A_17 = arith.constant 3 : i32
    "tpu.region"() ({
      %run_scoped3A_454 = tpu.sem_alloc : memref<!tpu.dma_semaphore, #tpu.memory_space<semaphore_mem>>
      %dma_start3A_455 = arith.constant 0 : i32
      %dma_start3A_456 = tpu.memref_slice %arg21[%run_scoped3A_17, %dma_start3A_455] : memref<8x128xf32, #tpu.memory_space<vmem>> -> memref<1x128xf32, #tpu.memory_space<vmem>>
      %dma_start3A_457 = tpu.memref_squeeze %dma_start3A_456 : memref<1x128xf32, #tpu.memory_space<vmem>> -> memref<128xf32, #tpu.memory_space<vmem>>
      %dma_start3A_458 = arith.constant 0 : i32
      %dma_start3A_459 = tpu.memref_slice %arg23[%dma_start3A_458] : memref<16384xf32, #tpu.memory_space<vmem_shared>> -> memref<16384xf32, #tpu.memory_space<vmem_shared>>
      tpu.enqueue_indirect_dma source(%dma_start3A_457 : memref<128xf32, #tpu.memory_space<vmem>>) target(%dma_start3A_459 : memref<16384xf32, #tpu.memory_space<vmem_shared>>) offsets(%arg15 : memref<128xi32, #tpu.memory_space<vmem>>) semaphore(%run_scoped3A_454 : memref<!tpu.dma_semaphore, #tpu.memory_space<semaphore_mem>>)
      %dma_wait3A_460 = arith.constant 0 : i32
      %dma_wait3A_461 = tpu.memref_slice %arg21[%run_scoped3A_17, %dma_wait3A_460] : memref<8x128xf32, #tpu.memory_space<vmem>> -> memref<1x128xf32, #tpu.memory_space<vmem>>
      %dma_wait3A_462 = tpu.memref_squeeze %dma_wait3A_461 : memref<1x128xf32, #tpu.memory_space<vmem>> -> memref<128xf32, #tpu.memory_space<vmem>>
      %dma_wait3A_463 = arith.constant 0 : i32
      %dma_wait3A_464 = tpu.memref_slice %arg23[%dma_wait3A_463] : memref<16384xf32, #tpu.memory_space<vmem_shared>> -> memref<16384xf32, #tpu.memory_space<vmem_shared>>
      tpu.wait_indirect_dma semaphore(%run_scoped3A_454 : memref<!tpu.dma_semaphore, #tpu.memory_space<semaphore_mem>>) src(%dma_wait3A_462 : memref<128xf32, #tpu.memory_space<vmem>>) dst(%dma_wait3A_464 : memref<16384xf32, #tpu.memory_space<vmem_shared>>)
      tpu.yield
    }) : () -> ()
    %run_scoped3A_18 = arith.constant 4 : i32
    "tpu.region"() ({
      %run_scoped3A_454 = tpu.sem_alloc : memref<!tpu.dma_semaphore, #tpu.memory_space<semaphore_mem>>
      %dma_start3A_455 = arith.constant 0 : i32
      %dma_start3A_456 = tpu.memref_slice %arg20[%run_scoped3A_18, %dma_start3A_455] : memref<8x128xi32, #tpu.memory_space<vmem>> -> memref<1x128xi32, #tpu.memory_space<vmem>>
      %dma_start3A_457 = tpu.memref_squeeze %dma_start3A_456 : memref<1x128xi32, #tpu.memory_space<vmem>> -> memref<128xi32, #tpu.memory_space<vmem>>
      %dma_start3A_458 = arith.constant 0 : i32
      %dma_start3A_459 = tpu.memref_slice %arg22[%dma_start3A_458] : memref<16384xi32, #tpu.memory_space<vmem_shared>> -> memref<16384xi32, #tpu.memory_space<vmem_shared>>
      tpu.enqueue_indirect_dma source(%dma_start3A_457 : memref<128xi32, #tpu.memory_space<vmem>>) target(%dma_start3A_459 : memref<16384xi32, #tpu.memory_space<vmem_shared>>) offsets(%arg16 : memref<128xi32, #tpu.memory_space<vmem>>) semaphore(%run_scoped3A_454 : memref<!tpu.dma_semaphore, #tpu.memory_space<semaphore_mem>>)
      %dma_wait3A_460 = arith.constant 0 : i32
      %dma_wait3A_461 = tpu.memref_slice %arg20[%run_scoped3A_18, %dma_wait3A_460] : memref<8x128xi32, #tpu.memory_space<vmem>> -> memref<1x128xi32, #tpu.memory_space<vmem>>
      %dma_wait3A_462 = tpu.memref_squeeze %dma_wait3A_461 : memref<1x128xi32, #tpu.memory_space<vmem>> -> memref<128xi32, #tpu.memory_space<vmem>>
      %dma_wait3A_463 = arith.constant 0 : i32
      %dma_wait3A_464 = tpu.memref_slice %arg22[%dma_wait3A_463] : memref<16384xi32, #tpu.memory_space<vmem_shared>> -> memref<16384xi32, #tpu.memory_space<vmem_shared>>
      tpu.wait_indirect_dma semaphore(%run_scoped3A_454 : memref<!tpu.dma_semaphore, #tpu.memory_space<semaphore_mem>>) src(%dma_wait3A_462 : memref<128xi32, #tpu.memory_space<vmem>>) dst(%dma_wait3A_464 : memref<16384xi32, #tpu.memory_space<vmem_shared>>)
      tpu.yield
    }) : () -> ()
    %run_scoped3A_19 = arith.constant 4 : i32
    "tpu.region"() ({
      %run_scoped3A_454 = tpu.sem_alloc : memref<!tpu.dma_semaphore, #tpu.memory_space<semaphore_mem>>
      %dma_start3A_455 = arith.constant 0 : i32
      %dma_start3A_456 = tpu.memref_slice %arg21[%run_scoped3A_19, %dma_start3A_455] : memref<8x128xf32, #tpu.memory_space<vmem>> -> memref<1x128xf32, #tpu.memory_space<vmem>>
      %dma_start3A_457 = tpu.memref_squeeze %dma_start3A_456 : memref<1x128xf32, #tpu.memory_space<vmem>> -> memref<128xf32, #tpu.memory_space<vmem>>
      %dma_start3A_458 = arith.constant 0 : i32
      %dma_start3A_459 = tpu.memref_slice %arg23[%dma_start3A_458] : memref<16384xf32, #tpu.memory_space<vmem_shared>> -> memref<16384xf32, #tpu.memory_space<vmem_shared>>
      tpu.enqueue_indirect_dma source(%dma_start3A_457 : memref<128xf32, #tpu.memory_space<vmem>>) target(%dma_start3A_459 : memref<16384xf32, #tpu.memory_space<vmem_shared>>) offsets(%arg16 : memref<128xi32, #tpu.memory_space<vmem>>) semaphore(%run_scoped3A_454 : memref<!tpu.dma_semaphore, #tpu.memory_space<semaphore_mem>>)
      %dma_wait3A_460 = arith.constant 0 : i32
      %dma_wait3A_461 = tpu.memref_slice %arg21[%run_scoped3A_19, %dma_wait3A_460] : memref<8x128xf32, #tpu.memory_space<vmem>> -> memref<1x128xf32, #tpu.memory_space<vmem>>
      %dma_wait3A_462 = tpu.memref_squeeze %dma_wait3A_461 : memref<1x128xf32, #tpu.memory_space<vmem>> -> memref<128xf32, #tpu.memory_space<vmem>>
      %dma_wait3A_463 = arith.constant 0 : i32
      %dma_wait3A_464 = tpu.memref_slice %arg23[%dma_wait3A_463] : memref<16384xf32, #tpu.memory_space<vmem_shared>> -> memref<16384xf32, #tpu.memory_space<vmem_shared>>
      tpu.wait_indirect_dma semaphore(%run_scoped3A_454 : memref<!tpu.dma_semaphore, #tpu.memory_space<semaphore_mem>>) src(%dma_wait3A_462 : memref<128xf32, #tpu.memory_space<vmem>>) dst(%dma_wait3A_464 : memref<16384xf32, #tpu.memory_space<vmem_shared>>)
      tpu.yield
    }) : () -> ()
    %run_scoped3A_20 = arith.constant 5 : i32
    "tpu.region"() ({
      %run_scoped3A_454 = tpu.sem_alloc : memref<!tpu.dma_semaphore, #tpu.memory_space<semaphore_mem>>
      %dma_start3A_455 = arith.constant 0 : i32
      %dma_start3A_456 = tpu.memref_slice %arg20[%run_scoped3A_20, %dma_start3A_455] : memref<8x128xi32, #tpu.memory_space<vmem>> -> memref<1x128xi32, #tpu.memory_space<vmem>>
      %dma_start3A_457 = tpu.memref_squeeze %dma_start3A_456 : memref<1x128xi32, #tpu.memory_space<vmem>> -> memref<128xi32, #tpu.memory_space<vmem>>
      %dma_start3A_458 = arith.constant 0 : i32
      %dma_start3A_459 = tpu.memref_slice %arg22[%dma_start3A_458] : memref<16384xi32, #tpu.memory_space<vmem_shared>> -> memref<16384xi32, #tpu.memory_space<vmem_shared>>
      tpu.enqueue_indirect_dma source(%dma_start3A_457 : memref<128xi32, #tpu.memory_space<vmem>>) target(%dma_start3A_459 : memref<16384xi32, #tpu.memory_space<vmem_shared>>) offsets(%arg17 : memref<128xi32, #tpu.memory_space<vmem>>) semaphore(%run_scoped3A_454 : memref<!tpu.dma_semaphore, #tpu.memory_space<semaphore_mem>>)
      %dma_wait3A_460 = arith.constant 0 : i32
      %dma_wait3A_461 = tpu.memref_slice %arg20[%run_scoped3A_20, %dma_wait3A_460] : memref<8x128xi32, #tpu.memory_space<vmem>> -> memref<1x128xi32, #tpu.memory_space<vmem>>
      %dma_wait3A_462 = tpu.memref_squeeze %dma_wait3A_461 : memref<1x128xi32, #tpu.memory_space<vmem>> -> memref<128xi32, #tpu.memory_space<vmem>>
      %dma_wait3A_463 = arith.constant 0 : i32
      %dma_wait3A_464 = tpu.memref_slice %arg22[%dma_wait3A_463] : memref<16384xi32, #tpu.memory_space<vmem_shared>> -> memref<16384xi32, #tpu.memory_space<vmem_shared>>
      tpu.wait_indirect_dma semaphore(%run_scoped3A_454 : memref<!tpu.dma_semaphore, #tpu.memory_space<semaphore_mem>>) src(%dma_wait3A_462 : memref<128xi32, #tpu.memory_space<vmem>>) dst(%dma_wait3A_464 : memref<16384xi32, #tpu.memory_space<vmem_shared>>)
      tpu.yield
    }) : () -> ()
    %run_scoped3A_21 = arith.constant 5 : i32
    "tpu.region"() ({
      %run_scoped3A_454 = tpu.sem_alloc : memref<!tpu.dma_semaphore, #tpu.memory_space<semaphore_mem>>
      %dma_start3A_455 = arith.constant 0 : i32
      %dma_start3A_456 = tpu.memref_slice %arg21[%run_scoped3A_21, %dma_start3A_455] : memref<8x128xf32, #tpu.memory_space<vmem>> -> memref<1x128xf32, #tpu.memory_space<vmem>>
      %dma_start3A_457 = tpu.memref_squeeze %dma_start3A_456 : memref<1x128xf32, #tpu.memory_space<vmem>> -> memref<128xf32, #tpu.memory_space<vmem>>
      %dma_start3A_458 = arith.constant 0 : i32
      %dma_start3A_459 = tpu.memref_slice %arg23[%dma_start3A_458] : memref<16384xf32, #tpu.memory_space<vmem_shared>> -> memref<16384xf32, #tpu.memory_space<vmem_shared>>
      tpu.enqueue_indirect_dma source(%dma_start3A_457 : memref<128xf32, #tpu.memory_space<vmem>>) target(%dma_start3A_459 : memref<16384xf32, #tpu.memory_space<vmem_shared>>) offsets(%arg17 : memref<128xi32, #tpu.memory_space<vmem>>) semaphore(%run_scoped3A_454 : memref<!tpu.dma_semaphore, #tpu.memory_space<semaphore_mem>>)
      %dma_wait3A_460 = arith.constant 0 : i32
      %dma_wait3A_461 = tpu.memref_slice %arg21[%run_scoped3A_21, %dma_wait3A_460] : memref<8x128xf32, #tpu.memory_space<vmem>> -> memref<1x128xf32, #tpu.memory_space<vmem>>
      %dma_wait3A_462 = tpu.memref_squeeze %dma_wait3A_461 : memref<1x128xf32, #tpu.memory_space<vmem>> -> memref<128xf32, #tpu.memory_space<vmem>>
      %dma_wait3A_463 = arith.constant 0 : i32
      %dma_wait3A_464 = tpu.memref_slice %arg23[%dma_wait3A_463] : memref<16384xf32, #tpu.memory_space<vmem_shared>> -> memref<16384xf32, #tpu.memory_space<vmem_shared>>
      tpu.wait_indirect_dma semaphore(%run_scoped3A_454 : memref<!tpu.dma_semaphore, #tpu.memory_space<semaphore_mem>>) src(%dma_wait3A_462 : memref<128xf32, #tpu.memory_space<vmem>>) dst(%dma_wait3A_464 : memref<16384xf32, #tpu.memory_space<vmem_shared>>)
      tpu.yield
    }) : () -> ()
    %run_scoped3A_22 = arith.constant 6 : i32
    "tpu.region"() ({
      %run_scoped3A_454 = tpu.sem_alloc : memref<!tpu.dma_semaphore, #tpu.memory_space<semaphore_mem>>
      %dma_start3A_455 = arith.constant 0 : i32
      %dma_start3A_456 = tpu.memref_slice %arg20[%run_scoped3A_22, %dma_start3A_455] : memref<8x128xi32, #tpu.memory_space<vmem>> -> memref<1x128xi32, #tpu.memory_space<vmem>>
      %dma_start3A_457 = tpu.memref_squeeze %dma_start3A_456 : memref<1x128xi32, #tpu.memory_space<vmem>> -> memref<128xi32, #tpu.memory_space<vmem>>
      %dma_start3A_458 = arith.constant 0 : i32
      %dma_start3A_459 = tpu.memref_slice %arg22[%dma_start3A_458] : memref<16384xi32, #tpu.memory_space<vmem_shared>> -> memref<16384xi32, #tpu.memory_space<vmem_shared>>
      tpu.enqueue_indirect_dma source(%dma_start3A_457 : memref<128xi32, #tpu.memory_space<vmem>>) target(%dma_start3A_459 : memref<16384xi32, #tpu.memory_space<vmem_shared>>) offsets(%arg18 : memref<128xi32, #tpu.memory_space<vmem>>) semaphore(%run_scoped3A_454 : memref<!tpu.dma_semaphore, #tpu.memory_space<semaphore_mem>>)
      %dma_wait3A_460 = arith.constant 0 : i32
      %dma_wait3A_461 = tpu.memref_slice %arg20[%run_scoped3A_22, %dma_wait3A_460] : memref<8x128xi32, #tpu.memory_space<vmem>> -> memref<1x128xi32, #tpu.memory_space<vmem>>
      %dma_wait3A_462 = tpu.memref_squeeze %dma_wait3A_461 : memref<1x128xi32, #tpu.memory_space<vmem>> -> memref<128xi32, #tpu.memory_space<vmem>>
      %dma_wait3A_463 = arith.constant 0 : i32
      %dma_wait3A_464 = tpu.memref_slice %arg22[%dma_wait3A_463] : memref<16384xi32, #tpu.memory_space<vmem_shared>> -> memref<16384xi32, #tpu.memory_space<vmem_shared>>
      tpu.wait_indirect_dma semaphore(%run_scoped3A_454 : memref<!tpu.dma_semaphore, #tpu.memory_space<semaphore_mem>>) src(%dma_wait3A_462 : memref<128xi32, #tpu.memory_space<vmem>>) dst(%dma_wait3A_464 : memref<16384xi32, #tpu.memory_space<vmem_shared>>)
      tpu.yield
    }) : () -> ()
    %run_scoped3A_23 = arith.constant 6 : i32
    "tpu.region"() ({
      %run_scoped3A_454 = tpu.sem_alloc : memref<!tpu.dma_semaphore, #tpu.memory_space<semaphore_mem>>
      %dma_start3A_455 = arith.constant 0 : i32
      %dma_start3A_456 = tpu.memref_slice %arg21[%run_scoped3A_23, %dma_start3A_455] : memref<8x128xf32, #tpu.memory_space<vmem>> -> memref<1x128xf32, #tpu.memory_space<vmem>>
      %dma_start3A_457 = tpu.memref_squeeze %dma_start3A_456 : memref<1x128xf32, #tpu.memory_space<vmem>> -> memref<128xf32, #tpu.memory_space<vmem>>
      %dma_start3A_458 = arith.constant 0 : i32
      %dma_start3A_459 = tpu.memref_slice %arg23[%dma_start3A_458] : memref<16384xf32, #tpu.memory_space<vmem_shared>> -> memref<16384xf32, #tpu.memory_space<vmem_shared>>
      tpu.enqueue_indirect_dma source(%dma_start3A_457 : memref<128xf32, #tpu.memory_space<vmem>>) target(%dma_start3A_459 : memref<16384xf32, #tpu.memory_space<vmem_shared>>) offsets(%arg18 : memref<128xi32, #tpu.memory_space<vmem>>) semaphore(%run_scoped3A_454 : memref<!tpu.dma_semaphore, #tpu.memory_space<semaphore_mem>>)
      %dma_wait3A_460 = arith.constant 0 : i32
      %dma_wait3A_461 = tpu.memref_slice %arg21[%run_scoped3A_23, %dma_wait3A_460] : memref<8x128xf32, #tpu.memory_space<vmem>> -> memref<1x128xf32, #tpu.memory_space<vmem>>
      %dma_wait3A_462 = tpu.memref_squeeze %dma_wait3A_461 : memref<1x128xf32, #tpu.memory_space<vmem>> -> memref<128xf32, #tpu.memory_space<vmem>>
      %dma_wait3A_463 = arith.constant 0 : i32
      %dma_wait3A_464 = tpu.memref_slice %arg23[%dma_wait3A_463] : memref<16384xf32, #tpu.memory_space<vmem_shared>> -> memref<16384xf32, #tpu.memory_space<vmem_shared>>
      tpu.wait_indirect_dma semaphore(%run_scoped3A_454 : memref<!tpu.dma_semaphore, #tpu.memory_space<semaphore_mem>>) src(%dma_wait3A_462 : memref<128xf32, #tpu.memory_space<vmem>>) dst(%dma_wait3A_464 : memref<16384xf32, #tpu.memory_space<vmem_shared>>)
      tpu.yield
    }) : () -> ()
    %run_scoped3A_24 = arith.constant 7 : i32
    "tpu.region"() ({
      %run_scoped3A_454 = tpu.sem_alloc : memref<!tpu.dma_semaphore, #tpu.memory_space<semaphore_mem>>
      %dma_start3A_455 = arith.constant 0 : i32
      %dma_start3A_456 = tpu.memref_slice %arg20[%run_scoped3A_24, %dma_start3A_455] : memref<8x128xi32, #tpu.memory_space<vmem>> -> memref<1x128xi32, #tpu.memory_space<vmem>>
      %dma_start3A_457 = tpu.memref_squeeze %dma_start3A_456 : memref<1x128xi32, #tpu.memory_space<vmem>> -> memref<128xi32, #tpu.memory_space<vmem>>
      %dma_start3A_458 = arith.constant 0 : i32
      %dma_start3A_459 = tpu.memref_slice %arg22[%dma_start3A_458] : memref<16384xi32, #tpu.memory_space<vmem_shared>> -> memref<16384xi32, #tpu.memory_space<vmem_shared>>
      tpu.enqueue_indirect_dma source(%dma_start3A_457 : memref<128xi32, #tpu.memory_space<vmem>>) target(%dma_start3A_459 : memref<16384xi32, #tpu.memory_space<vmem_shared>>) offsets(%arg19 : memref<128xi32, #tpu.memory_space<vmem>>) semaphore(%run_scoped3A_454 : memref<!tpu.dma_semaphore, #tpu.memory_space<semaphore_mem>>)
      %dma_wait3A_460 = arith.constant 0 : i32
      %dma_wait3A_461 = tpu.memref_slice %arg20[%run_scoped3A_24, %dma_wait3A_460] : memref<8x128xi32, #tpu.memory_space<vmem>> -> memref<1x128xi32, #tpu.memory_space<vmem>>
      %dma_wait3A_462 = tpu.memref_squeeze %dma_wait3A_461 : memref<1x128xi32, #tpu.memory_space<vmem>> -> memref<128xi32, #tpu.memory_space<vmem>>
      %dma_wait3A_463 = arith.constant 0 : i32
      %dma_wait3A_464 = tpu.memref_slice %arg22[%dma_wait3A_463] : memref<16384xi32, #tpu.memory_space<vmem_shared>> -> memref<16384xi32, #tpu.memory_space<vmem_shared>>
      tpu.wait_indirect_dma semaphore(%run_scoped3A_454 : memref<!tpu.dma_semaphore, #tpu.memory_space<semaphore_mem>>) src(%dma_wait3A_462 : memref<128xi32, #tpu.memory_space<vmem>>) dst(%dma_wait3A_464 : memref<16384xi32, #tpu.memory_space<vmem_shared>>)
      tpu.yield
    }) : () -> ()
    %run_scoped3A_25 = arith.constant 7 : i32
    "tpu.region"() ({
      %run_scoped3A_454 = tpu.sem_alloc : memref<!tpu.dma_semaphore, #tpu.memory_space<semaphore_mem>>
      %dma_start3A_455 = arith.constant 0 : i32
      %dma_start3A_456 = tpu.memref_slice %arg21[%run_scoped3A_25, %dma_start3A_455] : memref<8x128xf32, #tpu.memory_space<vmem>> -> memref<1x128xf32, #tpu.memory_space<vmem>>
      %dma_start3A_457 = tpu.memref_squeeze %dma_start3A_456 : memref<1x128xf32, #tpu.memory_space<vmem>> -> memref<128xf32, #tpu.memory_space<vmem>>
      %dma_start3A_458 = arith.constant 0 : i32
      %dma_start3A_459 = tpu.memref_slice %arg23[%dma_start3A_458] : memref<16384xf32, #tpu.memory_space<vmem_shared>> -> memref<16384xf32, #tpu.memory_space<vmem_shared>>
      tpu.enqueue_indirect_dma source(%dma_start3A_457 : memref<128xf32, #tpu.memory_space<vmem>>) target(%dma_start3A_459 : memref<16384xf32, #tpu.memory_space<vmem_shared>>) offsets(%arg19 : memref<128xi32, #tpu.memory_space<vmem>>) semaphore(%run_scoped3A_454 : memref<!tpu.dma_semaphore, #tpu.memory_space<semaphore_mem>>)
      %dma_wait3A_460 = arith.constant 0 : i32
      %dma_wait3A_461 = tpu.memref_slice %arg21[%run_scoped3A_25, %dma_wait3A_460] : memref<8x128xf32, #tpu.memory_space<vmem>> -> memref<1x128xf32, #tpu.memory_space<vmem>>
      %dma_wait3A_462 = tpu.memref_squeeze %dma_wait3A_461 : memref<1x128xf32, #tpu.memory_space<vmem>> -> memref<128xf32, #tpu.memory_space<vmem>>
      %dma_wait3A_463 = arith.constant 0 : i32
      %dma_wait3A_464 = tpu.memref_slice %arg23[%dma_wait3A_463] : memref<16384xf32, #tpu.memory_space<vmem_shared>> -> memref<16384xf32, #tpu.memory_space<vmem_shared>>
      tpu.wait_indirect_dma semaphore(%run_scoped3A_454 : memref<!tpu.dma_semaphore, #tpu.memory_space<semaphore_mem>>) src(%dma_wait3A_462 : memref<128xf32, #tpu.memory_space<vmem>>) dst(%dma_wait3A_464 : memref<16384xf32, #tpu.memory_space<vmem_shared>>)
      tpu.yield
    }) : () -> ()
    %dma_start3A = arith.constant 0 : i32
    %dma_start3A_26 = arith.constant 0 : i32
    %dma_start3A_27 = arith.constant 0 : i32
    %dma_start3A_28 = arith.constant 0 : i32
    %dma_start3A_29 = tpu.memref_slice %arg10[%dma_start3A_26, %dma_start3A_27, %dma_start3A_28] : memref<4x32x768xf32, #tpu.memory_space<vmem>> -> memref<1x32x768xf32, #tpu.memory_space<vmem>>
    %dma_start3A_30 = tpu.memref_squeeze %dma_start3A_29 : memref<1x32x768xf32, #tpu.memory_space<vmem>> -> memref<32x768xf32, #tpu.memory_space<vmem>>
    %dma_start3A_31 = arith.constant 0 : i32
    %dma_start3A_32 = tpu.memref_slice %arg11[%dma_start3A, %dma_start3A_31] : memref<8x32xi32, #tpu.memory_space<vmem>> -> memref<1x32xi32, #tpu.memory_space<vmem>>
    %dma_start3A_33 = tpu.memref_squeeze %dma_start3A_32 : memref<1x32xi32, #tpu.memory_space<vmem>> -> memref<32xi32, #tpu.memory_space<vmem>>
    %dma_start3A_34 = arith.constant 0 : i32
    %dma_start3A_35 = arith.constant 0 : i32
    %dma_start3A_36 = tpu.memref_slice %arg2[%dma_start3A_34, %dma_start3A_35] : memref<32768x768xf32, #tpu.memory_space<hbm>> -> memref<32768x768xf32, #tpu.memory_space<hbm>>
    tpu.enqueue_indirect_dma source(%dma_start3A_36 : memref<32768x768xf32, #tpu.memory_space<hbm>>) target(%dma_start3A_30 : memref<32x768xf32, #tpu.memory_space<vmem>>) offsets(%dma_start3A_33 : memref<32xi32, #tpu.memory_space<vmem>>) semaphore(%arg24 : memref<!tpu.dma_semaphore, #tpu.memory_space<semaphore_mem>>)
    %dma_start3A_37 = arith.constant 1 : i32
    %dma_start3A_38 = arith.constant 1 : i32
    %dma_start3A_39 = arith.constant 0 : i32
    %dma_start3A_40 = arith.constant 0 : i32
    %dma_start3A_41 = tpu.memref_slice %arg10[%dma_start3A_38, %dma_start3A_39, %dma_start3A_40] : memref<4x32x768xf32, #tpu.memory_space<vmem>> -> memref<1x32x768xf32, #tpu.memory_space<vmem>>
    %dma_start3A_42 = tpu.memref_squeeze %dma_start3A_41 : memref<1x32x768xf32, #tpu.memory_space<vmem>> -> memref<32x768xf32, #tpu.memory_space<vmem>>
    %dma_start3A_43 = arith.constant 0 : i32
    %dma_start3A_44 = tpu.memref_slice %arg11[%dma_start3A_37, %dma_start3A_43] : memref<8x32xi32, #tpu.memory_space<vmem>> -> memref<1x32xi32, #tpu.memory_space<vmem>>
    %dma_start3A_45 = tpu.memref_squeeze %dma_start3A_44 : memref<1x32xi32, #tpu.memory_space<vmem>> -> memref<32xi32, #tpu.memory_space<vmem>>
    %dma_start3A_46 = arith.constant 0 : i32
    %dma_start3A_47 = arith.constant 0 : i32
    %dma_start3A_48 = tpu.memref_slice %arg2[%dma_start3A_46, %dma_start3A_47] : memref<32768x768xf32, #tpu.memory_space<hbm>> -> memref<32768x768xf32, #tpu.memory_space<hbm>>
    tpu.enqueue_indirect_dma source(%dma_start3A_48 : memref<32768x768xf32, #tpu.memory_space<hbm>>) target(%dma_start3A_42 : memref<32x768xf32, #tpu.memory_space<vmem>>) offsets(%dma_start3A_45 : memref<32xi32, #tpu.memory_space<vmem>>) semaphore(%arg25 : memref<!tpu.dma_semaphore, #tpu.memory_space<semaphore_mem>>)
    %dma_start3A_49 = arith.constant 2 : i32
    %dma_start3A_50 = arith.constant 2 : i32
    %dma_start3A_51 = arith.constant 0 : i32
    %dma_start3A_52 = arith.constant 0 : i32
    %dma_start3A_53 = tpu.memref_slice %arg10[%dma_start3A_50, %dma_start3A_51, %dma_start3A_52] : memref<4x32x768xf32, #tpu.memory_space<vmem>> -> memref<1x32x768xf32, #tpu.memory_space<vmem>>
    %dma_start3A_54 = tpu.memref_squeeze %dma_start3A_53 : memref<1x32x768xf32, #tpu.memory_space<vmem>> -> memref<32x768xf32, #tpu.memory_space<vmem>>
    %dma_start3A_55 = arith.constant 0 : i32
    %dma_start3A_56 = tpu.memref_slice %arg11[%dma_start3A_49, %dma_start3A_55] : memref<8x32xi32, #tpu.memory_space<vmem>> -> memref<1x32xi32, #tpu.memory_space<vmem>>
    %dma_start3A_57 = tpu.memref_squeeze %dma_start3A_56 : memref<1x32xi32, #tpu.memory_space<vmem>> -> memref<32xi32, #tpu.memory_space<vmem>>
    %dma_start3A_58 = arith.constant 0 : i32
    %dma_start3A_59 = arith.constant 0 : i32
    %dma_start3A_60 = tpu.memref_slice %arg2[%dma_start3A_58, %dma_start3A_59] : memref<32768x768xf32, #tpu.memory_space<hbm>> -> memref<32768x768xf32, #tpu.memory_space<hbm>>
    tpu.enqueue_indirect_dma source(%dma_start3A_60 : memref<32768x768xf32, #tpu.memory_space<hbm>>) target(%dma_start3A_54 : memref<32x768xf32, #tpu.memory_space<vmem>>) offsets(%dma_start3A_57 : memref<32xi32, #tpu.memory_space<vmem>>) semaphore(%arg26 : memref<!tpu.dma_semaphore, #tpu.memory_space<semaphore_mem>>)
    %dma_start3A_61 = arith.constant 3 : i32
    %dma_start3A_62 = arith.constant 3 : i32
    %dma_start3A_63 = arith.constant 0 : i32
    %dma_start3A_64 = arith.constant 0 : i32
    %dma_start3A_65 = tpu.memref_slice %arg10[%dma_start3A_62, %dma_start3A_63, %dma_start3A_64] : memref<4x32x768xf32, #tpu.memory_space<vmem>> -> memref<1x32x768xf32, #tpu.memory_space<vmem>>
    %dma_start3A_66 = tpu.memref_squeeze %dma_start3A_65 : memref<1x32x768xf32, #tpu.memory_space<vmem>> -> memref<32x768xf32, #tpu.memory_space<vmem>>
    %dma_start3A_67 = arith.constant 0 : i32
    %dma_start3A_68 = tpu.memref_slice %arg11[%dma_start3A_61, %dma_start3A_67] : memref<8x32xi32, #tpu.memory_space<vmem>> -> memref<1x32xi32, #tpu.memory_space<vmem>>
    %dma_start3A_69 = tpu.memref_squeeze %dma_start3A_68 : memref<1x32xi32, #tpu.memory_space<vmem>> -> memref<32xi32, #tpu.memory_space<vmem>>
    %dma_start3A_70 = arith.constant 0 : i32
    %dma_start3A_71 = arith.constant 0 : i32
    %dma_start3A_72 = tpu.memref_slice %arg2[%dma_start3A_70, %dma_start3A_71] : memref<32768x768xf32, #tpu.memory_space<hbm>> -> memref<32768x768xf32, #tpu.memory_space<hbm>>
    tpu.enqueue_indirect_dma source(%dma_start3A_72 : memref<32768x768xf32, #tpu.memory_space<hbm>>) target(%dma_start3A_66 : memref<32x768xf32, #tpu.memory_space<vmem>>) offsets(%dma_start3A_69 : memref<32xi32, #tpu.memory_space<vmem>>) semaphore(%arg27 : memref<!tpu.dma_semaphore, #tpu.memory_space<semaphore_mem>>)
    %dma_wait3A = arith.constant 0 : i32
    %dma_wait3A_73 = arith.constant 0 : i32
    %dma_wait3A_74 = arith.constant 0 : i32
    %dma_wait3A_75 = arith.constant 0 : i32
    %dma_wait3A_76 = tpu.memref_slice %arg10[%dma_wait3A_73, %dma_wait3A_74, %dma_wait3A_75] : memref<4x32x768xf32, #tpu.memory_space<vmem>> -> memref<1x32x768xf32, #tpu.memory_space<vmem>>
    %dma_wait3A_77 = tpu.memref_squeeze %dma_wait3A_76 : memref<1x32x768xf32, #tpu.memory_space<vmem>> -> memref<32x768xf32, #tpu.memory_space<vmem>>
    %dma_wait3A_78 = arith.constant 0 : i32
    %dma_wait3A_79 = tpu.memref_slice %arg11[%dma_wait3A, %dma_wait3A_78] : memref<8x32xi32, #tpu.memory_space<vmem>> -> memref<1x32xi32, #tpu.memory_space<vmem>>
    %dma_wait3A_80 = tpu.memref_squeeze %dma_wait3A_79 : memref<1x32xi32, #tpu.memory_space<vmem>> -> memref<32xi32, #tpu.memory_space<vmem>>
    %dma_wait3A_81 = arith.constant 0 : i32
    %dma_wait3A_82 = arith.constant 0 : i32
    %dma_wait3A_83 = tpu.memref_slice %arg2[%dma_wait3A_81, %dma_wait3A_82] : memref<32768x768xf32, #tpu.memory_space<hbm>> -> memref<32768x768xf32, #tpu.memory_space<hbm>>
    tpu.wait_indirect_dma semaphore(%arg24 : memref<!tpu.dma_semaphore, #tpu.memory_space<semaphore_mem>>) src(%dma_wait3A_83 : memref<32768x768xf32, #tpu.memory_space<hbm>>) dst(%dma_wait3A_77 : memref<32x768xf32, #tpu.memory_space<vmem>>)
    %add3A_84 = arith.constant 0 : i32
    %add3A_85 = arith.addi %mul3A_2, %add3A_84 : i32
    %dma_start3A_86 = arith.constant 0 : i32
    %dma_start3A_87 = arith.constant 0 : i32
    %dma_start3A_88 = arith.constant 0 : i32
    %dma_start3A_89 = tpu.memref_slice %arg10[%dma_start3A_86, %dma_start3A_87, %dma_start3A_88] : memref<4x32x768xf32, #tpu.memory_space<vmem>> -> memref<1x32x768xf32, #tpu.memory_space<vmem>>
    %dma_start3A_90 = tpu.memref_squeeze %dma_start3A_89 : memref<1x32x768xf32, #tpu.memory_space<vmem>> -> memref<32x768xf32, #tpu.memory_space<vmem>>
    %dma_start3A_91 = arith.constant 0 : i32
    %dma_start3A_92 = tpu.memref_slice %arg7[%add3A_85, %dma_start3A_91] : memref<8192x768xf32, #tpu.memory_space<hbm>> -> memref<32x768xf32, #tpu.memory_space<hbm>>
    %dma_start3A_93 = arith.constant 0 : i32
    %dma_start3A_94 = tpu.memref_slice %arg7[%add3A_85, %dma_start3A_93] : memref<8192x768xf32, #tpu.memory_space<hbm>> -> memref<32x768xf32, #tpu.memory_space<hbm>>
    %dma_start3A_95 = arith.constant 0 : i32
    %dma_start3A_96 = arith.constant 0 : i32
    %dma_start3A_97 = tpu.memref_slice %arg10[%dma_start3A_86, %dma_start3A_95, %dma_start3A_96] : memref<4x32x768xf32, #tpu.memory_space<vmem>> -> memref<1x32x768xf32, #tpu.memory_space<vmem>>
    %dma_start3A_98 = tpu.memref_squeeze %dma_start3A_97 : memref<1x32x768xf32, #tpu.memory_space<vmem>> -> memref<32x768xf32, #tpu.memory_space<vmem>>
    tpu.enqueue_dma source(%dma_start3A_98 : memref<32x768xf32, #tpu.memory_space<vmem>>) target(%dma_start3A_94 : memref<32x768xf32, #tpu.memory_space<hbm>>) target_semaphore(%arg28 : memref<!tpu.dma_semaphore, #tpu.memory_space<semaphore_mem>>)
    %dma_wait3A_99 = arith.constant 0 : i32
    %dma_wait3A_100 = arith.constant 0 : i32
    %dma_wait3A_101 = arith.constant 0 : i32
    %dma_wait3A_102 = tpu.memref_slice %arg10[%dma_wait3A_99, %dma_wait3A_100, %dma_wait3A_101] : memref<4x32x768xf32, #tpu.memory_space<vmem>> -> memref<1x32x768xf32, #tpu.memory_space<vmem>>
    %dma_wait3A_103 = tpu.memref_squeeze %dma_wait3A_102 : memref<1x32x768xf32, #tpu.memory_space<vmem>> -> memref<32x768xf32, #tpu.memory_space<vmem>>
    %dma_wait3A_104 = arith.constant 0 : i32
    %dma_wait3A_105 = tpu.memref_slice %arg7[%add3A_85, %dma_wait3A_104] : memref<8192x768xf32, #tpu.memory_space<hbm>> -> memref<32x768xf32, #tpu.memory_space<hbm>>
    %dma_wait3A_106 = arith.constant 0 : i32
    %dma_wait3A_107 = tpu.memref_slice %arg7[%add3A_85, %dma_wait3A_106] : memref<8192x768xf32, #tpu.memory_space<hbm>> -> memref<32x768xf32, #tpu.memory_space<hbm>>
    %dma_wait3A_108 = arith.constant 0 : i32
    %dma_wait3A_109 = arith.constant 0 : i32
    %dma_wait3A_110 = tpu.memref_slice %arg10[%dma_wait3A_99, %dma_wait3A_108, %dma_wait3A_109] : memref<4x32x768xf32, #tpu.memory_space<vmem>> -> memref<1x32x768xf32, #tpu.memory_space<vmem>>
    %dma_wait3A_111 = tpu.memref_squeeze %dma_wait3A_110 : memref<1x32x768xf32, #tpu.memory_space<vmem>> -> memref<32x768xf32, #tpu.memory_space<vmem>>
    tpu.wait_dma2 semaphore(%arg28 : memref<!tpu.dma_semaphore, #tpu.memory_space<semaphore_mem>>) src(%dma_wait3A_111 : memref<32x768xf32, #tpu.memory_space<vmem>>) dst(%dma_wait3A_107 : memref<32x768xf32, #tpu.memory_space<hbm>>)
    %dma_start3A_112 = arith.constant 4 : i32
    %dma_start3A_113 = arith.constant 0 : i32
    %dma_start3A_114 = arith.constant 0 : i32
    %dma_start3A_115 = arith.constant 0 : i32
    %dma_start3A_116 = tpu.memref_slice %arg10[%dma_start3A_113, %dma_start3A_114, %dma_start3A_115] : memref<4x32x768xf32, #tpu.memory_space<vmem>> -> memref<1x32x768xf32, #tpu.memory_space<vmem>>
    %dma_start3A_117 = tpu.memref_squeeze %dma_start3A_116 : memref<1x32x768xf32, #tpu.memory_space<vmem>> -> memref<32x768xf32, #tpu.memory_space<vmem>>
    %dma_start3A_118 = arith.constant 0 : i32
    %dma_start3A_119 = tpu.memref_slice %arg11[%dma_start3A_112, %dma_start3A_118] : memref<8x32xi32, #tpu.memory_space<vmem>> -> memref<1x32xi32, #tpu.memory_space<vmem>>
    %dma_start3A_120 = tpu.memref_squeeze %dma_start3A_119 : memref<1x32xi32, #tpu.memory_space<vmem>> -> memref<32xi32, #tpu.memory_space<vmem>>
    %dma_start3A_121 = arith.constant 0 : i32
    %dma_start3A_122 = arith.constant 0 : i32
    %dma_start3A_123 = tpu.memref_slice %arg2[%dma_start3A_121, %dma_start3A_122] : memref<32768x768xf32, #tpu.memory_space<hbm>> -> memref<32768x768xf32, #tpu.memory_space<hbm>>
    tpu.enqueue_indirect_dma source(%dma_start3A_123 : memref<32768x768xf32, #tpu.memory_space<hbm>>) target(%dma_start3A_117 : memref<32x768xf32, #tpu.memory_space<vmem>>) offsets(%dma_start3A_120 : memref<32xi32, #tpu.memory_space<vmem>>) semaphore(%arg24 : memref<!tpu.dma_semaphore, #tpu.memory_space<semaphore_mem>>)
    %dma_wait3A_124 = arith.constant 1 : i32
    %dma_wait3A_125 = arith.constant 1 : i32
    %dma_wait3A_126 = arith.constant 0 : i32
    %dma_wait3A_127 = arith.constant 0 : i32
    %dma_wait3A_128 = tpu.memref_slice %arg10[%dma_wait3A_125, %dma_wait3A_126, %dma_wait3A_127] : memref<4x32x768xf32, #tpu.memory_space<vmem>> -> memref<1x32x768xf32, #tpu.memory_space<vmem>>
    %dma_wait3A_129 = tpu.memref_squeeze %dma_wait3A_128 : memref<1x32x768xf32, #tpu.memory_space<vmem>> -> memref<32x768xf32, #tpu.memory_space<vmem>>
    %dma_wait3A_130 = arith.constant 0 : i32
    %dma_wait3A_131 = tpu.memref_slice %arg11[%dma_wait3A_124, %dma_wait3A_130] : memref<8x32xi32, #tpu.memory_space<vmem>> -> memref<1x32xi32, #tpu.memory_space<vmem>>
    %dma_wait3A_132 = tpu.memref_squeeze %dma_wait3A_131 : memref<1x32xi32, #tpu.memory_space<vmem>> -> memref<32xi32, #tpu.memory_space<vmem>>
    %dma_wait3A_133 = arith.constant 0 : i32
    %dma_wait3A_134 = arith.constant 0 : i32
    %dma_wait3A_135 = tpu.memref_slice %arg2[%dma_wait3A_133, %dma_wait3A_134] : memref<32768x768xf32, #tpu.memory_space<hbm>> -> memref<32768x768xf32, #tpu.memory_space<hbm>>
    tpu.wait_indirect_dma semaphore(%arg25 : memref<!tpu.dma_semaphore, #tpu.memory_space<semaphore_mem>>) src(%dma_wait3A_135 : memref<32768x768xf32, #tpu.memory_space<hbm>>) dst(%dma_wait3A_129 : memref<32x768xf32, #tpu.memory_space<vmem>>)
    %add3A_136 = arith.constant 32 : i32
    %add3A_137 = arith.addi %mul3A_2, %add3A_136 : i32
    %dma_start3A_138 = arith.constant 1 : i32
    %dma_start3A_139 = arith.constant 0 : i32
    %dma_start3A_140 = arith.constant 0 : i32
    %dma_start3A_141 = tpu.memref_slice %arg10[%dma_start3A_138, %dma_start3A_139, %dma_start3A_140] : memref<4x32x768xf32, #tpu.memory_space<vmem>> -> memref<1x32x768xf32, #tpu.memory_space<vmem>>
    %dma_start3A_142 = tpu.memref_squeeze %dma_start3A_141 : memref<1x32x768xf32, #tpu.memory_space<vmem>> -> memref<32x768xf32, #tpu.memory_space<vmem>>
    %dma_start3A_143 = arith.constant 0 : i32
    %dma_start3A_144 = tpu.memref_slice %arg7[%add3A_137, %dma_start3A_143] : memref<8192x768xf32, #tpu.memory_space<hbm>> -> memref<32x768xf32, #tpu.memory_space<hbm>>
    %dma_start3A_145 = arith.constant 0 : i32
    %dma_start3A_146 = tpu.memref_slice %arg7[%add3A_137, %dma_start3A_145] : memref<8192x768xf32, #tpu.memory_space<hbm>> -> memref<32x768xf32, #tpu.memory_space<hbm>>
    %dma_start3A_147 = arith.constant 0 : i32
    %dma_start3A_148 = arith.constant 0 : i32
    %dma_start3A_149 = tpu.memref_slice %arg10[%dma_start3A_138, %dma_start3A_147, %dma_start3A_148] : memref<4x32x768xf32, #tpu.memory_space<vmem>> -> memref<1x32x768xf32, #tpu.memory_space<vmem>>
    %dma_start3A_150 = tpu.memref_squeeze %dma_start3A_149 : memref<1x32x768xf32, #tpu.memory_space<vmem>> -> memref<32x768xf32, #tpu.memory_space<vmem>>
    tpu.enqueue_dma source(%dma_start3A_150 : memref<32x768xf32, #tpu.memory_space<vmem>>) target(%dma_start3A_146 : memref<32x768xf32, #tpu.memory_space<hbm>>) target_semaphore(%arg29 : memref<!tpu.dma_semaphore, #tpu.memory_space<semaphore_mem>>)
    %dma_wait3A_151 = arith.constant 1 : i32
    %dma_wait3A_152 = arith.constant 0 : i32
    %dma_wait3A_153 = arith.constant 0 : i32
    %dma_wait3A_154 = tpu.memref_slice %arg10[%dma_wait3A_151, %dma_wait3A_152, %dma_wait3A_153] : memref<4x32x768xf32, #tpu.memory_space<vmem>> -> memref<1x32x768xf32, #tpu.memory_space<vmem>>
    %dma_wait3A_155 = tpu.memref_squeeze %dma_wait3A_154 : memref<1x32x768xf32, #tpu.memory_space<vmem>> -> memref<32x768xf32, #tpu.memory_space<vmem>>
    %dma_wait3A_156 = arith.constant 0 : i32
    %dma_wait3A_157 = tpu.memref_slice %arg7[%add3A_137, %dma_wait3A_156] : memref<8192x768xf32, #tpu.memory_space<hbm>> -> memref<32x768xf32, #tpu.memory_space<hbm>>
    %dma_wait3A_158 = arith.constant 0 : i32
    %dma_wait3A_159 = tpu.memref_slice %arg7[%add3A_137, %dma_wait3A_158] : memref<8192x768xf32, #tpu.memory_space<hbm>> -> memref<32x768xf32, #tpu.memory_space<hbm>>
    %dma_wait3A_160 = arith.constant 0 : i32
    %dma_wait3A_161 = arith.constant 0 : i32
    %dma_wait3A_162 = tpu.memref_slice %arg10[%dma_wait3A_151, %dma_wait3A_160, %dma_wait3A_161] : memref<4x32x768xf32, #tpu.memory_space<vmem>> -> memref<1x32x768xf32, #tpu.memory_space<vmem>>
    %dma_wait3A_163 = tpu.memref_squeeze %dma_wait3A_162 : memref<1x32x768xf32, #tpu.memory_space<vmem>> -> memref<32x768xf32, #tpu.memory_space<vmem>>
    tpu.wait_dma2 semaphore(%arg29 : memref<!tpu.dma_semaphore, #tpu.memory_space<semaphore_mem>>) src(%dma_wait3A_163 : memref<32x768xf32, #tpu.memory_space<vmem>>) dst(%dma_wait3A_159 : memref<32x768xf32, #tpu.memory_space<hbm>>)
    %dma_start3A_164 = arith.constant 5 : i32
    %dma_start3A_165 = arith.constant 1 : i32
    %dma_start3A_166 = arith.constant 0 : i32
    %dma_start3A_167 = arith.constant 0 : i32
    %dma_start3A_168 = tpu.memref_slice %arg10[%dma_start3A_165, %dma_start3A_166, %dma_start3A_167] : memref<4x32x768xf32, #tpu.memory_space<vmem>> -> memref<1x32x768xf32, #tpu.memory_space<vmem>>
    %dma_start3A_169 = tpu.memref_squeeze %dma_start3A_168 : memref<1x32x768xf32, #tpu.memory_space<vmem>> -> memref<32x768xf32, #tpu.memory_space<vmem>>
    %dma_start3A_170 = arith.constant 0 : i32
    %dma_start3A_171 = tpu.memref_slice %arg11[%dma_start3A_164, %dma_start3A_170] : memref<8x32xi32, #tpu.memory_space<vmem>> -> memref<1x32xi32, #tpu.memory_space<vmem>>
    %dma_start3A_172 = tpu.memref_squeeze %dma_start3A_171 : memref<1x32xi32, #tpu.memory_space<vmem>> -> memref<32xi32, #tpu.memory_space<vmem>>
    %dma_start3A_173 = arith.constant 0 : i32
    %dma_start3A_174 = arith.constant 0 : i32
    %dma_start3A_175 = tpu.memref_slice %arg2[%dma_start3A_173, %dma_start3A_174] : memref<32768x768xf32, #tpu.memory_space<hbm>> -> memref<32768x768xf32, #tpu.memory_space<hbm>>
    tpu.enqueue_indirect_dma source(%dma_start3A_175 : memref<32768x768xf32, #tpu.memory_space<hbm>>) target(%dma_start3A_169 : memref<32x768xf32, #tpu.memory_space<vmem>>) offsets(%dma_start3A_172 : memref<32xi32, #tpu.memory_space<vmem>>) semaphore(%arg25 : memref<!tpu.dma_semaphore, #tpu.memory_space<semaphore_mem>>)
    %dma_wait3A_176 = arith.constant 2 : i32
    %dma_wait3A_177 = arith.constant 2 : i32
    %dma_wait3A_178 = arith.constant 0 : i32
    %dma_wait3A_179 = arith.constant 0 : i32
    %dma_wait3A_180 = tpu.memref_slice %arg10[%dma_wait3A_177, %dma_wait3A_178, %dma_wait3A_179] : memref<4x32x768xf32, #tpu.memory_space<vmem>> -> memref<1x32x768xf32, #tpu.memory_space<vmem>>
    %dma_wait3A_181 = tpu.memref_squeeze %dma_wait3A_180 : memref<1x32x768xf32, #tpu.memory_space<vmem>> -> memref<32x768xf32, #tpu.memory_space<vmem>>
    %dma_wait3A_182 = arith.constant 0 : i32
    %dma_wait3A_183 = tpu.memref_slice %arg11[%dma_wait3A_176, %dma_wait3A_182] : memref<8x32xi32, #tpu.memory_space<vmem>> -> memref<1x32xi32, #tpu.memory_space<vmem>>
    %dma_wait3A_184 = tpu.memref_squeeze %dma_wait3A_183 : memref<1x32xi32, #tpu.memory_space<vmem>> -> memref<32xi32, #tpu.memory_space<vmem>>
    %dma_wait3A_185 = arith.constant 0 : i32
    %dma_wait3A_186 = arith.constant 0 : i32
    %dma_wait3A_187 = tpu.memref_slice %arg2[%dma_wait3A_185, %dma_wait3A_186] : memref<32768x768xf32, #tpu.memory_space<hbm>> -> memref<32768x768xf32, #tpu.memory_space<hbm>>
    tpu.wait_indirect_dma semaphore(%arg26 : memref<!tpu.dma_semaphore, #tpu.memory_space<semaphore_mem>>) src(%dma_wait3A_187 : memref<32768x768xf32, #tpu.memory_space<hbm>>) dst(%dma_wait3A_181 : memref<32x768xf32, #tpu.memory_space<vmem>>)
    %add3A_188 = arith.constant 64 : i32
    %add3A_189 = arith.addi %mul3A_2, %add3A_188 : i32
    %dma_start3A_190 = arith.constant 2 : i32
    %dma_start3A_191 = arith.constant 0 : i32
    %dma_start3A_192 = arith.constant 0 : i32
    %dma_start3A_193 = tpu.memref_slice %arg10[%dma_start3A_190, %dma_start3A_191, %dma_start3A_192] : memref<4x32x768xf32, #tpu.memory_space<vmem>> -> memref<1x32x768xf32, #tpu.memory_space<vmem>>
    %dma_start3A_194 = tpu.memref_squeeze %dma_start3A_193 : memref<1x32x768xf32, #tpu.memory_space<vmem>> -> memref<32x768xf32, #tpu.memory_space<vmem>>
    %dma_start3A_195 = arith.constant 0 : i32
    %dma_start3A_196 = tpu.memref_slice %arg7[%add3A_189, %dma_start3A_195] : memref<8192x768xf32, #tpu.memory_space<hbm>> -> memref<32x768xf32, #tpu.memory_space<hbm>>
    %dma_start3A_197 = arith.constant 0 : i32
    %dma_start3A_198 = tpu.memref_slice %arg7[%add3A_189, %dma_start3A_197] : memref<8192x768xf32, #tpu.memory_space<hbm>> -> memref<32x768xf32, #tpu.memory_space<hbm>>
    %dma_start3A_199 = arith.constant 0 : i32
    %dma_start3A_200 = arith.constant 0 : i32
    %dma_start3A_201 = tpu.memref_slice %arg10[%dma_start3A_190, %dma_start3A_199, %dma_start3A_200] : memref<4x32x768xf32, #tpu.memory_space<vmem>> -> memref<1x32x768xf32, #tpu.memory_space<vmem>>
    %dma_start3A_202 = tpu.memref_squeeze %dma_start3A_201 : memref<1x32x768xf32, #tpu.memory_space<vmem>> -> memref<32x768xf32, #tpu.memory_space<vmem>>
    tpu.enqueue_dma source(%dma_start3A_202 : memref<32x768xf32, #tpu.memory_space<vmem>>) target(%dma_start3A_198 : memref<32x768xf32, #tpu.memory_space<hbm>>) target_semaphore(%arg30 : memref<!tpu.dma_semaphore, #tpu.memory_space<semaphore_mem>>)
    %dma_wait3A_203 = arith.constant 2 : i32
    %dma_wait3A_204 = arith.constant 0 : i32
    %dma_wait3A_205 = arith.constant 0 : i32
    %dma_wait3A_206 = tpu.memref_slice %arg10[%dma_wait3A_203, %dma_wait3A_204, %dma_wait3A_205] : memref<4x32x768xf32, #tpu.memory_space<vmem>> -> memref<1x32x768xf32, #tpu.memory_space<vmem>>
    %dma_wait3A_207 = tpu.memref_squeeze %dma_wait3A_206 : memref<1x32x768xf32, #tpu.memory_space<vmem>> -> memref<32x768xf32, #tpu.memory_space<vmem>>
    %dma_wait3A_208 = arith.constant 0 : i32
    %dma_wait3A_209 = tpu.memref_slice %arg7[%add3A_189, %dma_wait3A_208] : memref<8192x768xf32, #tpu.memory_space<hbm>> -> memref<32x768xf32, #tpu.memory_space<hbm>>
    %dma_wait3A_210 = arith.constant 0 : i32
    %dma_wait3A_211 = tpu.memref_slice %arg7[%add3A_189, %dma_wait3A_210] : memref<8192x768xf32, #tpu.memory_space<hbm>> -> memref<32x768xf32, #tpu.memory_space<hbm>>
    %dma_wait3A_212 = arith.constant 0 : i32
    %dma_wait3A_213 = arith.constant 0 : i32
    %dma_wait3A_214 = tpu.memref_slice %arg10[%dma_wait3A_203, %dma_wait3A_212, %dma_wait3A_213] : memref<4x32x768xf32, #tpu.memory_space<vmem>> -> memref<1x32x768xf32, #tpu.memory_space<vmem>>
    %dma_wait3A_215 = tpu.memref_squeeze %dma_wait3A_214 : memref<1x32x768xf32, #tpu.memory_space<vmem>> -> memref<32x768xf32, #tpu.memory_space<vmem>>
    tpu.wait_dma2 semaphore(%arg30 : memref<!tpu.dma_semaphore, #tpu.memory_space<semaphore_mem>>) src(%dma_wait3A_215 : memref<32x768xf32, #tpu.memory_space<vmem>>) dst(%dma_wait3A_211 : memref<32x768xf32, #tpu.memory_space<hbm>>)
    %dma_start3A_216 = arith.constant 6 : i32
    %dma_start3A_217 = arith.constant 2 : i32
    %dma_start3A_218 = arith.constant 0 : i32
    %dma_start3A_219 = arith.constant 0 : i32
    %dma_start3A_220 = tpu.memref_slice %arg10[%dma_start3A_217, %dma_start3A_218, %dma_start3A_219] : memref<4x32x768xf32, #tpu.memory_space<vmem>> -> memref<1x32x768xf32, #tpu.memory_space<vmem>>
    %dma_start3A_221 = tpu.memref_squeeze %dma_start3A_220 : memref<1x32x768xf32, #tpu.memory_space<vmem>> -> memref<32x768xf32, #tpu.memory_space<vmem>>
    %dma_start3A_222 = arith.constant 0 : i32
    %dma_start3A_223 = tpu.memref_slice %arg11[%dma_start3A_216, %dma_start3A_222] : memref<8x32xi32, #tpu.memory_space<vmem>> -> memref<1x32xi32, #tpu.memory_space<vmem>>
    %dma_start3A_224 = tpu.memref_squeeze %dma_start3A_223 : memref<1x32xi32, #tpu.memory_space<vmem>> -> memref<32xi32, #tpu.memory_space<vmem>>
    %dma_start3A_225 = arith.constant 0 : i32
    %dma_start3A_226 = arith.constant 0 : i32
    %dma_start3A_227 = tpu.memref_slice %arg2[%dma_start3A_225, %dma_start3A_226] : memref<32768x768xf32, #tpu.memory_space<hbm>> -> memref<32768x768xf32, #tpu.memory_space<hbm>>
    tpu.enqueue_indirect_dma source(%dma_start3A_227 : memref<32768x768xf32, #tpu.memory_space<hbm>>) target(%dma_start3A_221 : memref<32x768xf32, #tpu.memory_space<vmem>>) offsets(%dma_start3A_224 : memref<32xi32, #tpu.memory_space<vmem>>) semaphore(%arg26 : memref<!tpu.dma_semaphore, #tpu.memory_space<semaphore_mem>>)
    %dma_wait3A_228 = arith.constant 3 : i32
    %dma_wait3A_229 = arith.constant 3 : i32
    %dma_wait3A_230 = arith.constant 0 : i32
    %dma_wait3A_231 = arith.constant 0 : i32
    %dma_wait3A_232 = tpu.memref_slice %arg10[%dma_wait3A_229, %dma_wait3A_230, %dma_wait3A_231] : memref<4x32x768xf32, #tpu.memory_space<vmem>> -> memref<1x32x768xf32, #tpu.memory_space<vmem>>
    %dma_wait3A_233 = tpu.memref_squeeze %dma_wait3A_232 : memref<1x32x768xf32, #tpu.memory_space<vmem>> -> memref<32x768xf32, #tpu.memory_space<vmem>>
    %dma_wait3A_234 = arith.constant 0 : i32
    %dma_wait3A_235 = tpu.memref_slice %arg11[%dma_wait3A_228, %dma_wait3A_234] : memref<8x32xi32, #tpu.memory_space<vmem>> -> memref<1x32xi32, #tpu.memory_space<vmem>>
    %dma_wait3A_236 = tpu.memref_squeeze %dma_wait3A_235 : memref<1x32xi32, #tpu.memory_space<vmem>> -> memref<32xi32, #tpu.memory_space<vmem>>
    %dma_wait3A_237 = arith.constant 0 : i32
    %dma_wait3A_238 = arith.constant 0 : i32
    %dma_wait3A_239 = tpu.memref_slice %arg2[%dma_wait3A_237, %dma_wait3A_238] : memref<32768x768xf32, #tpu.memory_space<hbm>> -> memref<32768x768xf32, #tpu.memory_space<hbm>>
    tpu.wait_indirect_dma semaphore(%arg27 : memref<!tpu.dma_semaphore, #tpu.memory_space<semaphore_mem>>) src(%dma_wait3A_239 : memref<32768x768xf32, #tpu.memory_space<hbm>>) dst(%dma_wait3A_233 : memref<32x768xf32, #tpu.memory_space<vmem>>)
    %add3A_240 = arith.constant 96 : i32
    %add3A_241 = arith.addi %mul3A_2, %add3A_240 : i32
    %dma_start3A_242 = arith.constant 3 : i32
    %dma_start3A_243 = arith.constant 0 : i32
    %dma_start3A_244 = arith.constant 0 : i32
    %dma_start3A_245 = tpu.memref_slice %arg10[%dma_start3A_242, %dma_start3A_243, %dma_start3A_244] : memref<4x32x768xf32, #tpu.memory_space<vmem>> -> memref<1x32x768xf32, #tpu.memory_space<vmem>>
    %dma_start3A_246 = tpu.memref_squeeze %dma_start3A_245 : memref<1x32x768xf32, #tpu.memory_space<vmem>> -> memref<32x768xf32, #tpu.memory_space<vmem>>
    %dma_start3A_247 = arith.constant 0 : i32
    %dma_start3A_248 = tpu.memref_slice %arg7[%add3A_241, %dma_start3A_247] : memref<8192x768xf32, #tpu.memory_space<hbm>> -> memref<32x768xf32, #tpu.memory_space<hbm>>
    %dma_start3A_249 = arith.constant 0 : i32
    %dma_start3A_250 = tpu.memref_slice %arg7[%add3A_241, %dma_start3A_249] : memref<8192x768xf32, #tpu.memory_space<hbm>> -> memref<32x768xf32, #tpu.memory_space<hbm>>
    %dma_start3A_251 = arith.constant 0 : i32
    %dma_start3A_252 = arith.constant 0 : i32
    %dma_start3A_253 = tpu.memref_slice %arg10[%dma_start3A_242, %dma_start3A_251, %dma_start3A_252] : memref<4x32x768xf32, #tpu.memory_space<vmem>> -> memref<1x32x768xf32, #tpu.memory_space<vmem>>
    %dma_start3A_254 = tpu.memref_squeeze %dma_start3A_253 : memref<1x32x768xf32, #tpu.memory_space<vmem>> -> memref<32x768xf32, #tpu.memory_space<vmem>>
    tpu.enqueue_dma source(%dma_start3A_254 : memref<32x768xf32, #tpu.memory_space<vmem>>) target(%dma_start3A_250 : memref<32x768xf32, #tpu.memory_space<hbm>>) target_semaphore(%arg31 : memref<!tpu.dma_semaphore, #tpu.memory_space<semaphore_mem>>)
    %dma_wait3A_255 = arith.constant 3 : i32
    %dma_wait3A_256 = arith.constant 0 : i32
    %dma_wait3A_257 = arith.constant 0 : i32
    %dma_wait3A_258 = tpu.memref_slice %arg10[%dma_wait3A_255, %dma_wait3A_256, %dma_wait3A_257] : memref<4x32x768xf32, #tpu.memory_space<vmem>> -> memref<1x32x768xf32, #tpu.memory_space<vmem>>
    %dma_wait3A_259 = tpu.memref_squeeze %dma_wait3A_258 : memref<1x32x768xf32, #tpu.memory_space<vmem>> -> memref<32x768xf32, #tpu.memory_space<vmem>>
    %dma_wait3A_260 = arith.constant 0 : i32
    %dma_wait3A_261 = tpu.memref_slice %arg7[%add3A_241, %dma_wait3A_260] : memref<8192x768xf32, #tpu.memory_space<hbm>> -> memref<32x768xf32, #tpu.memory_space<hbm>>
    %dma_wait3A_262 = arith.constant 0 : i32
    %dma_wait3A_263 = tpu.memref_slice %arg7[%add3A_241, %dma_wait3A_262] : memref<8192x768xf32, #tpu.memory_space<hbm>> -> memref<32x768xf32, #tpu.memory_space<hbm>>
    %dma_wait3A_264 = arith.constant 0 : i32
    %dma_wait3A_265 = arith.constant 0 : i32
    %dma_wait3A_266 = tpu.memref_slice %arg10[%dma_wait3A_255, %dma_wait3A_264, %dma_wait3A_265] : memref<4x32x768xf32, #tpu.memory_space<vmem>> -> memref<1x32x768xf32, #tpu.memory_space<vmem>>
    %dma_wait3A_267 = tpu.memref_squeeze %dma_wait3A_266 : memref<1x32x768xf32, #tpu.memory_space<vmem>> -> memref<32x768xf32, #tpu.memory_space<vmem>>
    tpu.wait_dma2 semaphore(%arg31 : memref<!tpu.dma_semaphore, #tpu.memory_space<semaphore_mem>>) src(%dma_wait3A_267 : memref<32x768xf32, #tpu.memory_space<vmem>>) dst(%dma_wait3A_263 : memref<32x768xf32, #tpu.memory_space<hbm>>)
    %dma_start3A_268 = arith.constant 7 : i32
    %dma_start3A_269 = arith.constant 3 : i32
    %dma_start3A_270 = arith.constant 0 : i32
    %dma_start3A_271 = arith.constant 0 : i32
    %dma_start3A_272 = tpu.memref_slice %arg10[%dma_start3A_269, %dma_start3A_270, %dma_start3A_271] : memref<4x32x768xf32, #tpu.memory_space<vmem>> -> memref<1x32x768xf32, #tpu.memory_space<vmem>>
    %dma_start3A_273 = tpu.memref_squeeze %dma_start3A_272 : memref<1x32x768xf32, #tpu.memory_space<vmem>> -> memref<32x768xf32, #tpu.memory_space<vmem>>
    %dma_start3A_274 = arith.constant 0 : i32
    %dma_start3A_275 = tpu.memref_slice %arg11[%dma_start3A_268, %dma_start3A_274] : memref<8x32xi32, #tpu.memory_space<vmem>> -> memref<1x32xi32, #tpu.memory_space<vmem>>
    %dma_start3A_276 = tpu.memref_squeeze %dma_start3A_275 : memref<1x32xi32, #tpu.memory_space<vmem>> -> memref<32xi32, #tpu.memory_space<vmem>>
    %dma_start3A_277 = arith.constant 0 : i32
    %dma_start3A_278 = arith.constant 0 : i32
    %dma_start3A_279 = tpu.memref_slice %arg2[%dma_start3A_277, %dma_start3A_278] : memref<32768x768xf32, #tpu.memory_space<hbm>> -> memref<32768x768xf32, #tpu.memory_space<hbm>>
    tpu.enqueue_indirect_dma source(%dma_start3A_279 : memref<32768x768xf32, #tpu.memory_space<hbm>>) target(%dma_start3A_273 : memref<32x768xf32, #tpu.memory_space<vmem>>) offsets(%dma_start3A_276 : memref<32xi32, #tpu.memory_space<vmem>>) semaphore(%arg27 : memref<!tpu.dma_semaphore, #tpu.memory_space<semaphore_mem>>)
    %dma_wait3A_280 = arith.constant 4 : i32
    %dma_wait3A_281 = arith.constant 0 : i32
    %dma_wait3A_282 = arith.constant 0 : i32
    %dma_wait3A_283 = arith.constant 0 : i32
    %dma_wait3A_284 = tpu.memref_slice %arg10[%dma_wait3A_281, %dma_wait3A_282, %dma_wait3A_283] : memref<4x32x768xf32, #tpu.memory_space<vmem>> -> memref<1x32x768xf32, #tpu.memory_space<vmem>>
    %dma_wait3A_285 = tpu.memref_squeeze %dma_wait3A_284 : memref<1x32x768xf32, #tpu.memory_space<vmem>> -> memref<32x768xf32, #tpu.memory_space<vmem>>
    %dma_wait3A_286 = arith.constant 0 : i32
    %dma_wait3A_287 = tpu.memref_slice %arg11[%dma_wait3A_280, %dma_wait3A_286] : memref<8x32xi32, #tpu.memory_space<vmem>> -> memref<1x32xi32, #tpu.memory_space<vmem>>
    %dma_wait3A_288 = tpu.memref_squeeze %dma_wait3A_287 : memref<1x32xi32, #tpu.memory_space<vmem>> -> memref<32xi32, #tpu.memory_space<vmem>>
    %dma_wait3A_289 = arith.constant 0 : i32
    %dma_wait3A_290 = arith.constant 0 : i32
    %dma_wait3A_291 = tpu.memref_slice %arg2[%dma_wait3A_289, %dma_wait3A_290] : memref<32768x768xf32, #tpu.memory_space<hbm>> -> memref<32768x768xf32, #tpu.memory_space<hbm>>
    tpu.wait_indirect_dma semaphore(%arg24 : memref<!tpu.dma_semaphore, #tpu.memory_space<semaphore_mem>>) src(%dma_wait3A_291 : memref<32768x768xf32, #tpu.memory_space<hbm>>) dst(%dma_wait3A_285 : memref<32x768xf32, #tpu.memory_space<vmem>>)
    %add3A_292 = arith.constant 128 : i32
    %add3A_293 = arith.addi %mul3A_2, %add3A_292 : i32
    %dma_start3A_294 = arith.constant 0 : i32
    %dma_start3A_295 = arith.constant 0 : i32
    %dma_start3A_296 = arith.constant 0 : i32
    %dma_start3A_297 = tpu.memref_slice %arg10[%dma_start3A_294, %dma_start3A_295, %dma_start3A_296] : memref<4x32x768xf32, #tpu.memory_space<vmem>> -> memref<1x32x768xf32, #tpu.memory_space<vmem>>
    %dma_start3A_298 = tpu.memref_squeeze %dma_start3A_297 : memref<1x32x768xf32, #tpu.memory_space<vmem>> -> memref<32x768xf32, #tpu.memory_space<vmem>>
    %dma_start3A_299 = arith.constant 0 : i32
    %dma_start3A_300 = tpu.memref_slice %arg7[%add3A_293, %dma_start3A_299] : memref<8192x768xf32, #tpu.memory_space<hbm>> -> memref<32x768xf32, #tpu.memory_space<hbm>>
    %dma_start3A_301 = arith.constant 0 : i32
    %dma_start3A_302 = tpu.memref_slice %arg7[%add3A_293, %dma_start3A_301] : memref<8192x768xf32, #tpu.memory_space<hbm>> -> memref<32x768xf32, #tpu.memory_space<hbm>>
    %dma_start3A_303 = arith.constant 0 : i32
    %dma_start3A_304 = arith.constant 0 : i32
    %dma_start3A_305 = tpu.memref_slice %arg10[%dma_start3A_294, %dma_start3A_303, %dma_start3A_304] : memref<4x32x768xf32, #tpu.memory_space<vmem>> -> memref<1x32x768xf32, #tpu.memory_space<vmem>>
    %dma_start3A_306 = tpu.memref_squeeze %dma_start3A_305 : memref<1x32x768xf32, #tpu.memory_space<vmem>> -> memref<32x768xf32, #tpu.memory_space<vmem>>
    tpu.enqueue_dma source(%dma_start3A_306 : memref<32x768xf32, #tpu.memory_space<vmem>>) target(%dma_start3A_302 : memref<32x768xf32, #tpu.memory_space<hbm>>) target_semaphore(%arg28 : memref<!tpu.dma_semaphore, #tpu.memory_space<semaphore_mem>>)
    %dma_wait3A_307 = arith.constant 5 : i32
    %dma_wait3A_308 = arith.constant 1 : i32
    %dma_wait3A_309 = arith.constant 0 : i32
    %dma_wait3A_310 = arith.constant 0 : i32
    %dma_wait3A_311 = tpu.memref_slice %arg10[%dma_wait3A_308, %dma_wait3A_309, %dma_wait3A_310] : memref<4x32x768xf32, #tpu.memory_space<vmem>> -> memref<1x32x768xf32, #tpu.memory_space<vmem>>
    %dma_wait3A_312 = tpu.memref_squeeze %dma_wait3A_311 : memref<1x32x768xf32, #tpu.memory_space<vmem>> -> memref<32x768xf32, #tpu.memory_space<vmem>>
    %dma_wait3A_313 = arith.constant 0 : i32
    %dma_wait3A_314 = tpu.memref_slice %arg11[%dma_wait3A_307, %dma_wait3A_313] : memref<8x32xi32, #tpu.memory_space<vmem>> -> memref<1x32xi32, #tpu.memory_space<vmem>>
    %dma_wait3A_315 = tpu.memref_squeeze %dma_wait3A_314 : memref<1x32xi32, #tpu.memory_space<vmem>> -> memref<32xi32, #tpu.memory_space<vmem>>
    %dma_wait3A_316 = arith.constant 0 : i32
    %dma_wait3A_317 = arith.constant 0 : i32
    %dma_wait3A_318 = tpu.memref_slice %arg2[%dma_wait3A_316, %dma_wait3A_317] : memref<32768x768xf32, #tpu.memory_space<hbm>> -> memref<32768x768xf32, #tpu.memory_space<hbm>>
    tpu.wait_indirect_dma semaphore(%arg25 : memref<!tpu.dma_semaphore, #tpu.memory_space<semaphore_mem>>) src(%dma_wait3A_318 : memref<32768x768xf32, #tpu.memory_space<hbm>>) dst(%dma_wait3A_312 : memref<32x768xf32, #tpu.memory_space<vmem>>)
    %add3A_319 = arith.constant 160 : i32
    %add3A_320 = arith.addi %mul3A_2, %add3A_319 : i32
    %dma_start3A_321 = arith.constant 1 : i32
    %dma_start3A_322 = arith.constant 0 : i32
    %dma_start3A_323 = arith.constant 0 : i32
    %dma_start3A_324 = tpu.memref_slice %arg10[%dma_start3A_321, %dma_start3A_322, %dma_start3A_323] : memref<4x32x768xf32, #tpu.memory_space<vmem>> -> memref<1x32x768xf32, #tpu.memory_space<vmem>>
    %dma_start3A_325 = tpu.memref_squeeze %dma_start3A_324 : memref<1x32x768xf32, #tpu.memory_space<vmem>> -> memref<32x768xf32, #tpu.memory_space<vmem>>
    %dma_start3A_326 = arith.constant 0 : i32
    %dma_start3A_327 = tpu.memref_slice %arg7[%add3A_320, %dma_start3A_326] : memref<8192x768xf32, #tpu.memory_space<hbm>> -> memref<32x768xf32, #tpu.memory_space<hbm>>
    %dma_start3A_328 = arith.constant 0 : i32
    %dma_start3A_329 = tpu.memref_slice %arg7[%add3A_320, %dma_start3A_328] : memref<8192x768xf32, #tpu.memory_space<hbm>> -> memref<32x768xf32, #tpu.memory_space<hbm>>
    %dma_start3A_330 = arith.constant 0 : i32
    %dma_start3A_331 = arith.constant 0 : i32
    %dma_start3A_332 = tpu.memref_slice %arg10[%dma_start3A_321, %dma_start3A_330, %dma_start3A_331] : memref<4x32x768xf32, #tpu.memory_space<vmem>> -> memref<1x32x768xf32, #tpu.memory_space<vmem>>
    %dma_start3A_333 = tpu.memref_squeeze %dma_start3A_332 : memref<1x32x768xf32, #tpu.memory_space<vmem>> -> memref<32x768xf32, #tpu.memory_space<vmem>>
    tpu.enqueue_dma source(%dma_start3A_333 : memref<32x768xf32, #tpu.memory_space<vmem>>) target(%dma_start3A_329 : memref<32x768xf32, #tpu.memory_space<hbm>>) target_semaphore(%arg29 : memref<!tpu.dma_semaphore, #tpu.memory_space<semaphore_mem>>)
    %dma_wait3A_334 = arith.constant 6 : i32
    %dma_wait3A_335 = arith.constant 2 : i32
    %dma_wait3A_336 = arith.constant 0 : i32
    %dma_wait3A_337 = arith.constant 0 : i32
    %dma_wait3A_338 = tpu.memref_slice %arg10[%dma_wait3A_335, %dma_wait3A_336, %dma_wait3A_337] : memref<4x32x768xf32, #tpu.memory_space<vmem>> -> memref<1x32x768xf32, #tpu.memory_space<vmem>>
    %dma_wait3A_339 = tpu.memref_squeeze %dma_wait3A_338 : memref<1x32x768xf32, #tpu.memory_space<vmem>> -> memref<32x768xf32, #tpu.memory_space<vmem>>
    %dma_wait3A_340 = arith.constant 0 : i32
    %dma_wait3A_341 = tpu.memref_slice %arg11[%dma_wait3A_334, %dma_wait3A_340] : memref<8x32xi32, #tpu.memory_space<vmem>> -> memref<1x32xi32, #tpu.memory_space<vmem>>
    %dma_wait3A_342 = tpu.memref_squeeze %dma_wait3A_341 : memref<1x32xi32, #tpu.memory_space<vmem>> -> memref<32xi32, #tpu.memory_space<vmem>>
    %dma_wait3A_343 = arith.constant 0 : i32
    %dma_wait3A_344 = arith.constant 0 : i32
    %dma_wait3A_345 = tpu.memref_slice %arg2[%dma_wait3A_343, %dma_wait3A_344] : memref<32768x768xf32, #tpu.memory_space<hbm>> -> memref<32768x768xf32, #tpu.memory_space<hbm>>
    tpu.wait_indirect_dma semaphore(%arg26 : memref<!tpu.dma_semaphore, #tpu.memory_space<semaphore_mem>>) src(%dma_wait3A_345 : memref<32768x768xf32, #tpu.memory_space<hbm>>) dst(%dma_wait3A_339 : memref<32x768xf32, #tpu.memory_space<vmem>>)
    %add3A_346 = arith.constant 192 : i32
    %add3A_347 = arith.addi %mul3A_2, %add3A_346 : i32
    %dma_start3A_348 = arith.constant 2 : i32
    %dma_start3A_349 = arith.constant 0 : i32
    %dma_start3A_350 = arith.constant 0 : i32
    %dma_start3A_351 = tpu.memref_slice %arg10[%dma_start3A_348, %dma_start3A_349, %dma_start3A_350] : memref<4x32x768xf32, #tpu.memory_space<vmem>> -> memref<1x32x768xf32, #tpu.memory_space<vmem>>
    %dma_start3A_352 = tpu.memref_squeeze %dma_start3A_351 : memref<1x32x768xf32, #tpu.memory_space<vmem>> -> memref<32x768xf32, #tpu.memory_space<vmem>>
    %dma_start3A_353 = arith.constant 0 : i32
    %dma_start3A_354 = tpu.memref_slice %arg7[%add3A_347, %dma_start3A_353] : memref<8192x768xf32, #tpu.memory_space<hbm>> -> memref<32x768xf32, #tpu.memory_space<hbm>>
    %dma_start3A_355 = arith.constant 0 : i32
    %dma_start3A_356 = tpu.memref_slice %arg7[%add3A_347, %dma_start3A_355] : memref<8192x768xf32, #tpu.memory_space<hbm>> -> memref<32x768xf32, #tpu.memory_space<hbm>>
    %dma_start3A_357 = arith.constant 0 : i32
    %dma_start3A_358 = arith.constant 0 : i32
    %dma_start3A_359 = tpu.memref_slice %arg10[%dma_start3A_348, %dma_start3A_357, %dma_start3A_358] : memref<4x32x768xf32, #tpu.memory_space<vmem>> -> memref<1x32x768xf32, #tpu.memory_space<vmem>>
    %dma_start3A_360 = tpu.memref_squeeze %dma_start3A_359 : memref<1x32x768xf32, #tpu.memory_space<vmem>> -> memref<32x768xf32, #tpu.memory_space<vmem>>
    tpu.enqueue_dma source(%dma_start3A_360 : memref<32x768xf32, #tpu.memory_space<vmem>>) target(%dma_start3A_356 : memref<32x768xf32, #tpu.memory_space<hbm>>) target_semaphore(%arg30 : memref<!tpu.dma_semaphore, #tpu.memory_space<semaphore_mem>>)
    %dma_wait3A_361 = arith.constant 7 : i32
    %dma_wait3A_362 = arith.constant 3 : i32
    %dma_wait3A_363 = arith.constant 0 : i32
    %dma_wait3A_364 = arith.constant 0 : i32
    %dma_wait3A_365 = tpu.memref_slice %arg10[%dma_wait3A_362, %dma_wait3A_363, %dma_wait3A_364] : memref<4x32x768xf32, #tpu.memory_space<vmem>> -> memref<1x32x768xf32, #tpu.memory_space<vmem>>
    %dma_wait3A_366 = tpu.memref_squeeze %dma_wait3A_365 : memref<1x32x768xf32, #tpu.memory_space<vmem>> -> memref<32x768xf32, #tpu.memory_space<vmem>>
    %dma_wait3A_367 = arith.constant 0 : i32
    %dma_wait3A_368 = tpu.memref_slice %arg11[%dma_wait3A_361, %dma_wait3A_367] : memref<8x32xi32, #tpu.memory_space<vmem>> -> memref<1x32xi32, #tpu.memory_space<vmem>>
    %dma_wait3A_369 = tpu.memref_squeeze %dma_wait3A_368 : memref<1x32xi32, #tpu.memory_space<vmem>> -> memref<32xi32, #tpu.memory_space<vmem>>
    %dma_wait3A_370 = arith.constant 0 : i32
    %dma_wait3A_371 = arith.constant 0 : i32
    %dma_wait3A_372 = tpu.memref_slice %arg2[%dma_wait3A_370, %dma_wait3A_371] : memref<32768x768xf32, #tpu.memory_space<hbm>> -> memref<32768x768xf32, #tpu.memory_space<hbm>>
    tpu.wait_indirect_dma semaphore(%arg27 : memref<!tpu.dma_semaphore, #tpu.memory_space<semaphore_mem>>) src(%dma_wait3A_372 : memref<32768x768xf32, #tpu.memory_space<hbm>>) dst(%dma_wait3A_366 : memref<32x768xf32, #tpu.memory_space<vmem>>)
    %add3A_373 = arith.constant 224 : i32
    %add3A_374 = arith.addi %mul3A_2, %add3A_373 : i32
    %dma_start3A_375 = arith.constant 3 : i32
    %dma_start3A_376 = arith.constant 0 : i32
    %dma_start3A_377 = arith.constant 0 : i32
    %dma_start3A_378 = tpu.memref_slice %arg10[%dma_start3A_375, %dma_start3A_376, %dma_start3A_377] : memref<4x32x768xf32, #tpu.memory_space<vmem>> -> memref<1x32x768xf32, #tpu.memory_space<vmem>>
    %dma_start3A_379 = tpu.memref_squeeze %dma_start3A_378 : memref<1x32x768xf32, #tpu.memory_space<vmem>> -> memref<32x768xf32, #tpu.memory_space<vmem>>
    %dma_start3A_380 = arith.constant 0 : i32
    %dma_start3A_381 = tpu.memref_slice %arg7[%add3A_374, %dma_start3A_380] : memref<8192x768xf32, #tpu.memory_space<hbm>> -> memref<32x768xf32, #tpu.memory_space<hbm>>
    %dma_start3A_382 = arith.constant 0 : i32
    %dma_start3A_383 = tpu.memref_slice %arg7[%add3A_374, %dma_start3A_382] : memref<8192x768xf32, #tpu.memory_space<hbm>> -> memref<32x768xf32, #tpu.memory_space<hbm>>
    %dma_start3A_384 = arith.constant 0 : i32
    %dma_start3A_385 = arith.constant 0 : i32
    %dma_start3A_386 = tpu.memref_slice %arg10[%dma_start3A_375, %dma_start3A_384, %dma_start3A_385] : memref<4x32x768xf32, #tpu.memory_space<vmem>> -> memref<1x32x768xf32, #tpu.memory_space<vmem>>
    %dma_start3A_387 = tpu.memref_squeeze %dma_start3A_386 : memref<1x32x768xf32, #tpu.memory_space<vmem>> -> memref<32x768xf32, #tpu.memory_space<vmem>>
    tpu.enqueue_dma source(%dma_start3A_387 : memref<32x768xf32, #tpu.memory_space<vmem>>) target(%dma_start3A_383 : memref<32x768xf32, #tpu.memory_space<hbm>>) target_semaphore(%arg31 : memref<!tpu.dma_semaphore, #tpu.memory_space<semaphore_mem>>)
    %dma_wait3A_388 = arith.constant 0 : i32
    %dma_wait3A_389 = arith.constant 0 : i32
    %dma_wait3A_390 = arith.constant 0 : i32
    %dma_wait3A_391 = tpu.memref_slice %arg10[%dma_wait3A_388, %dma_wait3A_389, %dma_wait3A_390] : memref<4x32x768xf32, #tpu.memory_space<vmem>> -> memref<1x32x768xf32, #tpu.memory_space<vmem>>
    %dma_wait3A_392 = tpu.memref_squeeze %dma_wait3A_391 : memref<1x32x768xf32, #tpu.memory_space<vmem>> -> memref<32x768xf32, #tpu.memory_space<vmem>>
    %dma_wait3A_393 = arith.constant 0 : i32
    %dma_wait3A_394 = tpu.memref_slice %arg7[%add3A_293, %dma_wait3A_393] : memref<8192x768xf32, #tpu.memory_space<hbm>> -> memref<32x768xf32, #tpu.memory_space<hbm>>
    %dma_wait3A_395 = arith.constant 0 : i32
    %dma_wait3A_396 = tpu.memref_slice %arg7[%add3A_293, %dma_wait3A_395] : memref<8192x768xf32, #tpu.memory_space<hbm>> -> memref<32x768xf32, #tpu.memory_space<hbm>>
    %dma_wait3A_397 = arith.constant 0 : i32
    %dma_wait3A_398 = arith.constant 0 : i32
    %dma_wait3A_399 = tpu.memref_slice %arg10[%dma_wait3A_388, %dma_wait3A_397, %dma_wait3A_398] : memref<4x32x768xf32, #tpu.memory_space<vmem>> -> memref<1x32x768xf32, #tpu.memory_space<vmem>>
    %dma_wait3A_400 = tpu.memref_squeeze %dma_wait3A_399 : memref<1x32x768xf32, #tpu.memory_space<vmem>> -> memref<32x768xf32, #tpu.memory_space<vmem>>
    tpu.wait_dma2 semaphore(%arg28 : memref<!tpu.dma_semaphore, #tpu.memory_space<semaphore_mem>>) src(%dma_wait3A_400 : memref<32x768xf32, #tpu.memory_space<vmem>>) dst(%dma_wait3A_396 : memref<32x768xf32, #tpu.memory_space<hbm>>)
    %dma_wait3A_401 = arith.constant 1 : i32
    %dma_wait3A_402 = arith.constant 0 : i32
    %dma_wait3A_403 = arith.constant 0 : i32
    %dma_wait3A_404 = tpu.memref_slice %arg10[%dma_wait3A_401, %dma_wait3A_402, %dma_wait3A_403] : memref<4x32x768xf32, #tpu.memory_space<vmem>> -> memref<1x32x768xf32, #tpu.memory_space<vmem>>
    %dma_wait3A_405 = tpu.memref_squeeze %dma_wait3A_404 : memref<1x32x768xf32, #tpu.memory_space<vmem>> -> memref<32x768xf32, #tpu.memory_space<vmem>>
    %dma_wait3A_406 = arith.constant 0 : i32
    %dma_wait3A_407 = tpu.memref_slice %arg7[%add3A_320, %dma_wait3A_406] : memref<8192x768xf32, #tpu.memory_space<hbm>> -> memref<32x768xf32, #tpu.memory_space<hbm>>
    %dma_wait3A_408 = arith.constant 0 : i32
    %dma_wait3A_409 = tpu.memref_slice %arg7[%add3A_320, %dma_wait3A_408] : memref<8192x768xf32, #tpu.memory_space<hbm>> -> memref<32x768xf32, #tpu.memory_space<hbm>>
    %dma_wait3A_410 = arith.constant 0 : i32
    %dma_wait3A_411 = arith.constant 0 : i32
    %dma_wait3A_412 = tpu.memref_slice %arg10[%dma_wait3A_401, %dma_wait3A_410, %dma_wait3A_411] : memref<4x32x768xf32, #tpu.memory_space<vmem>> -> memref<1x32x768xf32, #tpu.memory_space<vmem>>
    %dma_wait3A_413 = tpu.memref_squeeze %dma_wait3A_412 : memref<1x32x768xf32, #tpu.memory_space<vmem>> -> memref<32x768xf32, #tpu.memory_space<vmem>>
    tpu.wait_dma2 semaphore(%arg29 : memref<!tpu.dma_semaphore, #tpu.memory_space<semaphore_mem>>) src(%dma_wait3A_413 : memref<32x768xf32, #tpu.memory_space<vmem>>) dst(%dma_wait3A_409 : memref<32x768xf32, #tpu.memory_space<hbm>>)
    %dma_wait3A_414 = arith.constant 2 : i32
    %dma_wait3A_415 = arith.constant 0 : i32
    %dma_wait3A_416 = arith.constant 0 : i32
    %dma_wait3A_417 = tpu.memref_slice %arg10[%dma_wait3A_414, %dma_wait3A_415, %dma_wait3A_416] : memref<4x32x768xf32, #tpu.memory_space<vmem>> -> memref<1x32x768xf32, #tpu.memory_space<vmem>>
    %dma_wait3A_418 = tpu.memref_squeeze %dma_wait3A_417 : memref<1x32x768xf32, #tpu.memory_space<vmem>> -> memref<32x768xf32, #tpu.memory_space<vmem>>
    %dma_wait3A_419 = arith.constant 0 : i32
    %dma_wait3A_420 = tpu.memref_slice %arg7[%add3A_347, %dma_wait3A_419] : memref<8192x768xf32, #tpu.memory_space<hbm>> -> memref<32x768xf32, #tpu.memory_space<hbm>>
    %dma_wait3A_421 = arith.constant 0 : i32
    %dma_wait3A_422 = tpu.memref_slice %arg7[%add3A_347, %dma_wait3A_421] : memref<8192x768xf32, #tpu.memory_space<hbm>> -> memref<32x768xf32, #tpu.memory_space<hbm>>
    %dma_wait3A_423 = arith.constant 0 : i32
    %dma_wait3A_424 = arith.constant 0 : i32
    %dma_wait3A_425 = tpu.memref_slice %arg10[%dma_wait3A_414, %dma_wait3A_423, %dma_wait3A_424] : memref<4x32x768xf32, #tpu.memory_space<vmem>> -> memref<1x32x768xf32, #tpu.memory_space<vmem>>
    %dma_wait3A_426 = tpu.memref_squeeze %dma_wait3A_425 : memref<1x32x768xf32, #tpu.memory_space<vmem>> -> memref<32x768xf32, #tpu.memory_space<vmem>>
    tpu.wait_dma2 semaphore(%arg30 : memref<!tpu.dma_semaphore, #tpu.memory_space<semaphore_mem>>) src(%dma_wait3A_426 : memref<32x768xf32, #tpu.memory_space<vmem>>) dst(%dma_wait3A_422 : memref<32x768xf32, #tpu.memory_space<hbm>>)
    %dma_wait3A_427 = arith.constant 3 : i32
    %dma_wait3A_428 = arith.constant 0 : i32
    %dma_wait3A_429 = arith.constant 0 : i32
    %dma_wait3A_430 = tpu.memref_slice %arg10[%dma_wait3A_427, %dma_wait3A_428, %dma_wait3A_429] : memref<4x32x768xf32, #tpu.memory_space<vmem>> -> memref<1x32x768xf32, #tpu.memory_space<vmem>>
    %dma_wait3A_431 = tpu.memref_squeeze %dma_wait3A_430 : memref<1x32x768xf32, #tpu.memory_space<vmem>> -> memref<32x768xf32, #tpu.memory_space<vmem>>
    %dma_wait3A_432 = arith.constant 0 : i32
    %dma_wait3A_433 = tpu.memref_slice %arg7[%add3A_374, %dma_wait3A_432] : memref<8192x768xf32, #tpu.memory_space<hbm>> -> memref<32x768xf32, #tpu.memory_space<hbm>>
    %dma_wait3A_434 = arith.constant 0 : i32
    %dma_wait3A_435 = tpu.memref_slice %arg7[%add3A_374, %dma_wait3A_434] : memref<8192x768xf32, #tpu.memory_space<hbm>> -> memref<32x768xf32, #tpu.memory_space<hbm>>
    %dma_wait3A_436 = arith.constant 0 : i32
    %dma_wait3A_437 = arith.constant 0 : i32
    %dma_wait3A_438 = tpu.memref_slice %arg10[%dma_wait3A_427, %dma_wait3A_436, %dma_wait3A_437] : memref<4x32x768xf32, #tpu.memory_space<vmem>> -> memref<1x32x768xf32, #tpu.memory_space<vmem>>
    %dma_wait3A_439 = tpu.memref_squeeze %dma_wait3A_438 : memref<1x32x768xf32, #tpu.memory_space<vmem>> -> memref<32x768xf32, #tpu.memory_space<vmem>>
    tpu.wait_dma2 semaphore(%arg31 : memref<!tpu.dma_semaphore, #tpu.memory_space<semaphore_mem>>) src(%dma_wait3A_439 : memref<32x768xf32, #tpu.memory_space<vmem>>) dst(%dma_wait3A_435 : memref<32x768xf32, #tpu.memory_space<hbm>>)
    %barrier3A = arith.constant 0 : index
    tpu.barrier barrier_id(%barrier3A)
    %mul3A_440 = arith.constant 1024 : i32
    %mul3A_441 = arith.muli %arg1, %mul3A_440 : i32
    %mul3A_442 = arith.constant 16384 : i32
    %mul3A_443 = arith.muli %arg0, %mul3A_442 : i32
    %mul3A_444 = arith.constant 1024 : i32
    %mul3A_445 = arith.muli %arg1, %mul3A_444 : i32
    %add3A_446 = arith.addi %mul3A_443, %mul3A_445 : i32
    "tpu.region"() ({
      %run_scoped3A_454 = tpu.sem_alloc : memref<!tpu.dma_semaphore, #tpu.memory_space<semaphore_mem>>
      %dma_start3A_455 = tpu.memref_slice %arg9[%add3A_446] : memref<32768xi32, #tpu.memory_space<hbm>> -> memref<1024xi32, #tpu.memory_space<hbm>>
      %dma_start3A_456 = tpu.memref_slice %arg22[%mul3A_441] : memref<16384xi32, #tpu.memory_space<vmem_shared>> -> memref<1024xi32, #tpu.memory_space<vmem_shared>>
      tpu.enqueue_dma source(%dma_start3A_456 : memref<1024xi32, #tpu.memory_space<vmem_shared>>) target(%dma_start3A_455 : memref<1024xi32, #tpu.memory_space<hbm>>) target_semaphore(%run_scoped3A_454 : memref<!tpu.dma_semaphore, #tpu.memory_space<semaphore_mem>>)
      %dma_wait3A_457 = tpu.memref_slice %arg9[%add3A_446] : memref<32768xi32, #tpu.memory_space<hbm>> -> memref<1024xi32, #tpu.memory_space<hbm>>
      %dma_wait3A_458 = tpu.memref_slice %arg22[%mul3A_441] : memref<16384xi32, #tpu.memory_space<vmem_shared>> -> memref<1024xi32, #tpu.memory_space<vmem_shared>>
      tpu.wait_dma2 semaphore(%run_scoped3A_454 : memref<!tpu.dma_semaphore, #tpu.memory_space<semaphore_mem>>) src(%dma_wait3A_458 : memref<1024xi32, #tpu.memory_space<vmem_shared>>) dst(%dma_wait3A_457 : memref<1024xi32, #tpu.memory_space<hbm>>)
      tpu.yield
    }) : () -> ()
    %mul3A_447 = arith.constant 1024 : i32
    %mul3A_448 = arith.muli %arg1, %mul3A_447 : i32
    %mul3A_449 = arith.constant 16384 : i32
    %mul3A_450 = arith.muli %arg0, %mul3A_449 : i32
    %mul3A_451 = arith.constant 1024 : i32
    %mul3A_452 = arith.muli %arg1, %mul3A_451 : i32
    %add3A_453 = arith.addi %mul3A_450, %mul3A_452 : i32
    "tpu.region"() ({
      %run_scoped3A_454 = tpu.sem_alloc : memref<!tpu.dma_semaphore, #tpu.memory_space<semaphore_mem>>
      %dma_start3A_455 = tpu.memref_slice %arg8[%add3A_453] : memref<32768xf32, #tpu.memory_space<hbm>> -> memref<1024xf32, #tpu.memory_space<hbm>>
      %dma_start3A_456 = tpu.memref_slice %arg23[%mul3A_448] : memref<16384xf32, #tpu.memory_space<vmem_shared>> -> memref<1024xf32, #tpu.memory_space<vmem_shared>>
      tpu.enqueue_dma source(%dma_start3A_456 : memref<1024xf32, #tpu.memory_space<vmem_shared>>) target(%dma_start3A_455 : memref<1024xf32, #tpu.memory_space<hbm>>) target_semaphore(%run_scoped3A_454 : memref<!tpu.dma_semaphore, #tpu.memory_space<semaphore_mem>>)
      %dma_wait3A_457 = tpu.memref_slice %arg8[%add3A_453] : memref<32768xf32, #tpu.memory_space<hbm>> -> memref<1024xf32, #tpu.memory_space<hbm>>
      %dma_wait3A_458 = tpu.memref_slice %arg23[%mul3A_448] : memref<16384xf32, #tpu.memory_space<vmem_shared>> -> memref<1024xf32, #tpu.memory_space<vmem_shared>>
      tpu.wait_dma2 semaphore(%run_scoped3A_454 : memref<!tpu.dma_semaphore, #tpu.memory_space<semaphore_mem>>) src(%dma_wait3A_458 : memref<1024xf32, #tpu.memory_space<vmem_shared>>) dst(%dma_wait3A_457 : memref<1024xf32, #tpu.memory_space<hbm>>)
      tpu.yield
    }) : () -> ()
    return
  }
}

</mosaic_0001>

<sc_bundles>
// kernel: kernel.3.cloned.1.call-start
scs
__scs_entry_jumppad:
0x0: {  	(pc) =	sbr.rel $0x88, $3  }
0x1: {  	(tag) =	ssettag $0x0;
	lr =	simm.s32 $0x1  }
0x2: {  	[smem:$0x3FA0] =	sst lr;
	_ =	strace $0xD0000000  }
0x3: {  	_ = 	snop  }
0x4: {  	_ = 	snop  }
0x5: {  	_ = 	snop  }
0x6: {  	_ = 	snop  }
0x7: {  	_ = 	snop  }
__scs_overlays_trampoline_lowered:
0x8: {  	[smem:$0x3FAF] =	sst s0  }
0x9: {  	[smem:$0x3FB0] =	sst s1  }
0xa: {  	[smem:$0x3FB1] =	sst s2  }
0xb: {  	[smem:$0x3FB2] =	sst s3  }
0xc: {  	[smem:$0x3FB3] =	sst s4  }
0xd: {  	[smem:$0x3FB4] =	sst s5  }
0xe: {  	[smem:$0x3FB5] =	sst s6  }
0xf: {  	[smem:$0x3FB6] =	sst s7  }
0x10: {  	[smem:$0x3FB7] =	sst s8  }
0x11: {  	[smem:$0x3FB8] =	sst s9;
	s0 =	simm.s32 @!p0 $0x0  }
0x12: {  	s1 =	sld [smem:$0x3F9E];
	s0 =	simm.s32 @p0 $0x1  }
0x13: {  	[smem:$0x3FB9] =	sst s0;
	s0 =	simm.s32 @!p1 $0x0  }
0x14: {  	s2 =	sld [smem:$0x3F9D];
	s0 =	simm.s32 @p1 $0x1  }
0x15: {  	[smem:$0x3FBA] =	sst s0;
	s0 =	simm.s32 @!p2 $0x0  }
0x16: {  	s3 =	sld [smem:$0x3FDB];
	s0 =	simm.s32 @p2 $0x1  }
0x17: {  	s4 =	simm.s32 $0x1BF5;
	[smem:$0x3FBC] =	sst s0  }
0x18: {  	s0 =	sld [smem:$0x3F9F];
	_ =	swait.ge [sflag:s4], $0x0  }
0x19: {  	s7 =	sld [smem:$0x3FA0]  }
0x1a: {  	s8 =	sadd.s32 $0xFFFFE003, lr  }
0x1b: {  	s9 =	sadd.s32 $0xFFFFFEF7, lr;
	s5 =	simm.s32 $0xFFFFFFFF;
	p2 =	slt.u32 s8, $0xFFFFF086  }
0x1c: {  	p1 =	slt.u32 s9, $0xF7A;
	s5 =	simm.s32 @!p2 $0x0  }
0x1d: {  	s5 =	simm.s32 @p1 $0x1;
	p0 =	seq.s32 s7, s2  }
0x1e: {  	s7 =	smul.u32 @!p0 $0xF7A, s2;
	p2 =	seq.s32 @!p0 s5, $0x0  }
0x1f: {  	s9 =	smul.u32 $0xF7A, s1;
	s8 =	simm.s32 @!p0 $0x1BF5;
	p2 =	por !p2, p0  }
0x20: {  	[sflag:s8] =	ssyncset.s32 @!p0 $0xFFFFF086;
	s6 =	sadd.s32 @!p0 s3, s7;
	s7 =	simm.s32 @!p0 $0x108  }
0x21: {  	s3 =	sadd.s32 s3, s9;
	s6 =	sadd.s32 @!p0 $0x88, s6;
	s7 =	simm.s32 @p2 $0x1082  }
0x22: {  	[simem:s7], [sflag:s8] =	dma.local @!p0 [hbm:s6], $0xF7A  }
0x23: {  	s9 =	sor.u32 $0xD0000000, s2;
	s6 =	simm.s32 $0x108;
	_ =	swait.ge @!p0 [sflag:s8], $0x0  }
0x24: {  	s3 =	sadd.s32 $0x88, s3;
	s6 =	simm.s32 @!p1 $0x1082;
	[sflag:s4] =	ssyncset.s32 $0xFFFFF086  }
0x25: {  	[simem:s6], [sflag:s4] =	dma.local [hbm:s3], $0xF7A  }
0x26: {  	[smem:$0x3FA0] =	sst s1;
	(tag) =	ssettag s2;
	_ =	strace s9  }
0x27: {  	s1 =	sld [smem:$0x3FB0]  }
0x28: {  	s2 =	sld [smem:$0x3FB1]  }
0x29: {  	s4 =	sld [smem:$0x3FB3]  }
0x2a: {  	p0 =	seq.s32 s5, $0x0;
	s5 =	sld [smem:$0x3FB4]  }
0x2b: {  	s6 =	sld [smem:$0x3FB5]  }
0x2c: {  	s7 =	sld [smem:$0x3FB6]  }
0x2d: {  	s3 =	simm.s32 $0x108;
	s8 =	sld [smem:$0x3FB7]  }
0x2e: {  	s3 =	simm.s32 @!p0 $0x1082;
	s9 =	sld [smem:$0x3FB8]  }
0x2f: {  	lr =	sadd.s32 s0, s3;
	s0 =	sld [smem:$0x3FAF]  }
0x30: {  	s3 =	sld [smem:$0x3FB2]  }
0x31: {  	[smem:$0x3FBB] =	sst s10  }
0x32: {  	s10 =	sld [smem:$0x3FB9];
	_ =	sdelay $0x3  }
0x33: {  	p0 =	seq.s32 s10, $0x1;
	s10 =	sld [smem:$0x3FBB];
	_ =	sdelay $0x3  }
0x34: {  	[smem:$0x3FBB] =	sst s10  }
0x35: {  	s10 =	sld [smem:$0x3FBA];
	_ =	sdelay $0x3  }
0x36: {  	p1 =	seq.s32 s10, $0x1;
	s10 =	sld [smem:$0x3FBB];
	_ =	sdelay $0x3  }
0x37: {  	[smem:$0x3FBB] =	sst s10  }
0x38: {  	s10 =	sld [smem:$0x3FBC]  }
0x39: {  	_ = 	snop;
	(pc) =	sbr.ind lr, $3  }
0x3a: {  	_ = 	snop  }
0x3b: {  	_ = 	snop  }
0x3c: {  	p2 =	seq.s32 s10, $0x1;
	s10 =	sld [smem:$0x3FBB]  }
0x3d: {  	_ =	shalt  }
0x3e: {  	_ =	shalt  }
0x3f: {  	_ =	shalt  }
0x40: {  	_ =	shalt  }
0x41: {  	_ =	shalt  }
0x42: {  	_ =	shalt  }
0x43: {  	_ =	shalt  }
0x44: {  	_ =	shalt  }
0x45: {  	_ =	shalt  }
0x46: {  	_ =	shalt  }
0x47: {  	_ =	shalt  }
0x48: {  	_ =	shalt  }
0x49: {  	_ =	shalt  }
0x4a: {  	_ =	shalt  }
0x4b: {  	_ =	shalt  }
0x4c: {  	_ =	shalt  }
0x4d: {  	_ =	shalt  }
0x4e: {  	_ =	shalt  }
0x4f: {  	_ =	shalt  }
0x50: {  	_ =	shalt  }
0x51: {  	_ =	shalt  }
0x52: {  	_ =	shalt  }
0x53: {  	_ =	shalt  }
0x54: {  	_ =	shalt  }
0x55: {  	_ =	shalt  }
0x56: {  	_ =	shalt  }
0x57: {  	_ =	shalt  }
0x58: {  	_ =	shalt  }
0x59: {  	_ =	shalt  }
0x5a: {  	_ =	shalt  }
0x5b: {  	_ =	shalt  }
0x5c: {  	_ =	shalt  }
0x5d: {  	_ =	shalt  }
0x5e: {  	_ =	shalt  }
0x5f: {  	_ =	shalt  }
0x60: {  	_ =	shalt  }
0x61: {  	_ =	shalt  }
0x62: {  	_ =	shalt  }
0x63: {  	_ =	shalt  }
0x64: {  	_ =	shalt  }
0x65: {  	_ =	shalt  }
0x66: {  	_ =	shalt  }
0x67: {  	_ =	shalt  }
0x68: {  	_ =	shalt  }
0x69: {  	_ =	shalt  }
0x6a: {  	_ =	shalt  }
0x6b: {  	_ =	shalt  }
0x6c: {  	_ =	shalt  }
0x6d: {  	_ =	shalt  }
0x6e: {  	_ =	shalt  }
0x6f: {  	_ =	shalt  }
0x70: {  	_ =	shalt  }
0x71: {  	_ =	shalt  }
0x72: {  	_ =	shalt  }
0x73: {  	_ =	shalt  }
0x74: {  	_ =	shalt  }
0x75: {  	_ =	shalt  }
0x76: {  	_ =	shalt  }
0x77: {  	_ =	shalt  }
0x78: {  	_ =	shalt  }
0x79: {  	_ =	shalt  }
0x7a: {  	_ =	shalt  }
0x7b: {  	_ =	shalt  }
0x7c: {  	_ =	shalt  }
0x7d: {  	_ =	shalt  }
0x7e: {  	_ =	shalt  }
0x7f: {  	_ =	shalt  }
0x80: {  	_ =	shalt  }
0x81: {  	_ =	shalt  }
0x82: {  	_ =	shalt  }
0x83: {  	_ =	shalt  }
0x84: {  	_ =	shalt  }
0x85: {  	_ =	shalt  }
0x86: {  	_ =	shalt  }
0x87: {  	_ =	shalt  }
.Lfunc_end0:
.L_simem_size_0:
called_computation_lowered:
.L_overlay_start_0:
0x88: {  	s2 =	sld [smem:$0x3FD9]  }
0x89: {  	s3 =	sld [smem:$0x3FFE];
	_ =	sdelay $0x1  }
0x8a: {  	s1 =	srdreg.scid  }
0x8b: {  	s0 =	sand.u32 $0x1, s1  }
0x8c: {  	s14 =	sshll.u32 s0, $0xA;
	s2 =	sadd.s32 s3, s2  }
0x8d: {  	s2 =	sadd.s32 s2, s14  }
0x8e: {  	[smem:$0x3FC7] =	sst s2  }
0x8f: {  	_ = 	snop  }
0x90: {  	s2 =	sld [smem:$0x3FD0];
	_ =	sdelay $0x2  }
0x91: {  	s4 =	simm.s32 $0xA;
	s5 =	simm.s32 $0x10;
	s15 =	sld [smem:$0x3FC9]  }
0x92: {  	[smem:s5], [sflag:s4] =	dma.local [hbm:s2], $0x1  }
0x93: {  	_ =	swait.eq [sflag:s4], $0x1  }
0x94: {  	s16 =	sld [smem:$0x10];
	[sflag:s4] =	ssyncset.done $0x0  }
0x95: {  	s17 =	sld [smem:$0x11];
	[sflag:s4] =	ssyncadd.s32 $0xFFFFFFFF  }
0x96: {  	s18 =	sld [smem:$0x12];
	(tm) =	ssettm $0x1  }
0x97: {  	s6 =	sld [smem:$0x3FFB];
	_ =	sdelay $0x3  }
0x98: {  	_ =	strace s6  }
0x99: {  	s6 =	sld [smem:$0x3FFC];
	_ =	sdelay $0x3  }
0x9a: {  	_ =	strace s6  }
0x9b: {  	s6 =	sld [smem:$0x3FFD];
	_ =	sdelay $0x3  }
0x9c: {  	_ =	strace s6  }
0x9d: {  	_ =	strace $0x8FFFFFFF  }
0x9e: {  	s19 =	sld [smem:$0x3FDB];
	_ =	sdelay $0x1  }
0x9f: {  	s7 =	simm.s32 $_scs_section_size  }
0xa0: {  	s8 =	simm.s32 $_size__tile_overlayer_lowered;
	s9 =	simm.s32 $_tile_overlayer_lowered  }
0xa1: {  	s22 =	simm.s32 $0x1BFF;
	s21 =	sshll.u32 s9, $0x1;
	s6 =	sadd.s32 s7, s19  }
0xa2: {  	s10 =	simm.s32 $0x0;
	s20 =	sshll.u32 s8, $0x1;
	s8 =	sadd.s32 s21, s6  }
0xa3: {  	[timem:s10], [sflag:s22] =	dma.local [hbm:s8], s20  }
0xa4: {  	_ =	swait.ge [sflag:s22], s20  }
0xa5: {  	s7 =	ssub.s32 $0x0, s20;
	[sflag:s22] =	ssyncset.done $0x0  }
0xa6: {  	[sflag:s22] =	ssyncadd.s32 s7;
	_ =	sdelay $0x1  }
0xa7: {  	s23 =	simm.s32 $0x1B8B  }
0xa8: {  	_ =	swait.ge [sflag:s23], $0x1  }
0xa9: {  	[sflag:s23] =	ssyncset.done $0x0  }
0xaa: {  	s25 =	simm.s32 $0x1B8E;
	s24 =	sld [smem:$0x3FFE];
	[sflag:s23] =	ssyncadd.s32 $0xFFFFFFFF  }
0xab: {  	s26 =	simm.s32 $execute0_lowered;
	[smem:$0x3FD2] =	sst s25  }
0xac: {  	s8 =	sshll.u32 s26, $0x1;
	_ =	strace $0x80000046;
	[dreg:$0x1] =	wrdreg $0xFFFFFFFF  }
0xad: {  	s28 =	simm.s32 $_size_execute0_lowered;
	s6 =	sadd.s32 s6, s8;
	[dreg:$0x0] =	wrdreg $0x0  }
0xae: {  	s8 =	sshll.u32 s28, $0x1;
	[dreg:$0x2] =	wrdreg s6  }
0xaf: {  	[dreg:$0x3] =	wrdreg s8  }
0xb0: {  	[dreg:$0x4] =	wrdreg $0xC0  }
0xb1: {  	_ =	task [dreg:s10], $0x5FFFF  }
0xb2: {  	[dreg:$0x1] =	wrdreg $0xFFFFFFFF  }
0xb3: {  	[dreg:$0x0] =	wrdreg $0x60  }
0xb4: {  	[dreg:$0x2] =	wrdreg s15  }
0xb5: {  	[dreg:$0x3] =	wrdreg s18  }
0xb6: {  	[dreg:$0x4] =	wrdreg s17  }
0xb7: {  	[dreg:$0x5] =	wrdreg s24  }
0xb8: {  	[dreg:$0x6] =	wrdreg s16  }
0xb9: {  	[dreg:$0x7] =	wrdreg $0x190000  }
0xba: {  	[dreg:$0x8] =	wrdreg $0x194000  }
0xbb: {  	[dreg:$0x9] =	wrdreg $0x9  }
0xbc: {  	_ =	task.clear_ibuf [dreg:s10], $0xAFFFF;
	_ =	strace $0x90000046  }
0xbd: {  	s29 =	simm.s32 $0x9;
	_ =	strace $0x80000048  }
0xbe: {  	_ =	swait.ge [sflag:s29], $0x1  }
0xbf: {  	[sflag:s29] =	ssyncadd.s32 $0xFFFFFFFF  }
0xc0: {  	_ =	strace $0x90000048  }
0xc1: {  	_ =	sfence  }
0xc2: {  	s30 =	sld [smem:$0x0];
	_ =	sdelay $0x2  }
0xc3: {  	s31 =	sshll.u32 s1, $0xD;
	s1 =	sshrl.u32 s1, $0x2  }
0xc4: {  	s3 =	sand.u32 $0x4000, s31;
	s1 =	sadd.s32 s1, s30  }
0xc5: {  	s0 =	sor.u32 s3, s0;
	s1 =	sshll.u32 s1, $0x11  }
0xc6: {  	s0 =	sor.u32 s1, s0  }
0xc7: {  	s0 =	sadd.s32 $0x8F2B, s0  }
0xc8: {  	[sflag:s0] =	ssyncadd.remote.s32 $0x1  }
0xc9: {  	_ =	sfence.sel $0xFFFF  }
0xca: {  	[dreg:$0x0] =	wrdreg $0xFFFFFFFF;
	(pc) =	sbr.abs _section_cstart, $3  }
0xcb: {  	[dreg:$0x1] =	wrdreg $0xFFFFFFFF  }
0xcc: {  	_ =	task.clear_ibuf [dreg:s10], $0x2FFFF;
	_ =	strace $0x9FFFFFFF  }
0xcd: {  	(tm) =	ssettm $0x7FFFFFFF  }
tec
execute0_lowered:
.L_overlay_start_1:
0x0: {  	(tag) =	ssettag $0x1  }
0x1: {  	s0 =	rddreg [dreg:$0x0]  }
0x2: {  	s1 =	rddreg [dreg:$0x1]  }
0x3: {  	s2 =	rddreg [dreg:$0x2]  }
0x4: {  	s6 =	rddreg [dreg:$0x3]  }
0x5: {  	s7 =	rddreg [dreg:$0x4]  }
0x6: {  	s3 =	rddreg [dreg:$0x5]  }
0x7: {  	s4 =	rddreg [dreg:$0x6]  }
0x8: {  	s5 =	srdreg.scid;
	s11 =	stileid.u32  }
0x9: {  	s8 =	sand.u32 $0x1, s5;
	s10 =	sshll.u32 s11, $0xA;
	s11 =	sshll.u32 s11, $0x1  }
0xa: {  	s5 =	simm.s32 $0x0;
	s9 =	sshll.u32 s8, $0xE;
	s11 =	sor.u32 s8, s11  }
0xb: {  	[smem:$0x7FF] =	sst s5;
	s9 =	sor.u32 s10, s9;
	s12 =	sshll.u32 s11, $0x7  }
0xc: {  	s13 =	smul.u32 $0x30000, s11;
	s9 =	sshrl.u32 s9, $0x3;
	s1 =	sadd.s32 s1, s12  }
0xd: {  	_ =	strace $0x80000047;
	s20 =	sadd.s32 s2, s9;
	[dreg:$0x8] =	wrdreg s1  }
0xe: {  	s17 =	sshrl.u32 s13, $0x3;
	s13 =	simm.s32 $0x18C80;
	[smem:$0x7F0] =	sst s20  }
0xf: {  	s21 =	sadd.s32 $0x10, s20;
	[dreg:$0x1d] =	wrdreg s13  }
0x10: {  	s22 =	sadd.s32 $0x20, s20;
	[dreg:$0x9] =	wrdreg s21  }
0x11: {  	s23 =	sadd.s32 $0x30, s20;
	[dreg:$0xa] =	wrdreg s22  }
0x12: {  	s24 =	sadd.s32 $0x40, s20;
	[dreg:$0xb] =	wrdreg s23  }
0x13: {  	s25 =	sadd.s32 $0x50, s20;
	[dreg:$0xc] =	wrdreg s24  }
0x14: {  	s31 =	sadd.s32 $0x60, s20;
	[dreg:$0xd] =	wrdreg s25  }
0x15: {  	s26 =	sadd.s32 s9, s6;
	s6 =	sadd.s32 $0x70, s20;
	[dreg:$0xe] =	wrdreg s31  }
0x16: {  	s9 =	smul.u32 $0x6000, s11;
	s12 =	sadd.s32 $0x1800, s26;
	[dreg:$0xf] =	wrdreg s6  }
0x17: {  	s14 =	sadd.s32 $0x800, s26;
	[dreg:$0x10] =	wrdreg s12  }
0x18: {  	s15 =	sadd.s32 s7, s9;
	[dreg:$0x11] =	wrdreg s14  }
0x19: {  	s25 =	sadd.s32 $0x3800, s26;
	[smem:$0x7F1] =	sst s15  }
0x1a: {  	s26 =	sadd.s32 $0x2800, s26;
	[dreg:$0x19] =	wrdreg s25  }
0x1b: {  	s31 =	sadd.s32 s10, s3;
	s3 =	simm.s32 $0x18000;
	[dreg:$0x1a] =	wrdreg s26  }
0x1c: {  	s12 =	simm.s32 $0x18880;
	[dreg:$0x1b] =	wrdreg s3  }
0x1d: {  	s14 =	simm.s32 $0x18900;
	[dreg:$0x1c] =	wrdreg s12  }
0x1e: {  	s6 =	sadd.s32 s7, s17;
	s17 =	simm.s32 $0x18D80;
	[dreg:$0x1e] =	wrdreg s14  }
0x1f: {  	s16 =	sadd.s32 $0xC00, s15;
	[smem:$0x7F3] =	sst s17  }
0x20: {  	s18 =	sadd.s32 $0x1800, s15;
	[dreg:$0x12] =	wrdreg s16  }
0x21: {  	s19 =	sadd.s32 $0x2400, s6;
	[dreg:$0x13] =	wrdreg s18  }
0x22: {  	s20 =	sadd.s32 $0x3000, s6;
	[dreg:$0x14] =	wrdreg s19  }
0x23: {  	s22 =	sadd.s32 $0x3C00, s6;
	[dreg:$0x15] =	wrdreg s20  }
0x24: {  	s28 =	simm.s32 $0xA800;
	s23 =	sadd.s32 $0x4800, s6;
	[dreg:$0x16] =	wrdreg s22  }
0x25: {  	s29 =	simm.s32 $0xB000;
	s24 =	sadd.s32 $0x5400, s6;
	[dreg:$0x17] =	wrdreg s23  }
0x26: {  	s30 =	simm.s32 $0xB800;
	s15 =	simm.s32 $0x18D00;
	[dreg:$0x18] =	wrdreg s24  }
0x27: {  	s4 =	sadd.s32 s10, s4;
	s25 =	simm.s32 $0x18F80;
	[dreg:$0x1f] =	wrdreg s15  }
0x28: {  	s11 =	simm.s32 $0x9;
	s26 =	sshrl.u32 s31, $0x3;
	[smem:$0x7FB] =	sst s25  }
0x29: {  	s21 =	ssub.s32 $0x2, s8;
	s31 =	sshrl.u32 s4, $0x3;
	[smem:$0x7FC] =	sst s26  }
0x2a: {  	s9 =	sadd.s32 $0x200, s0;
	s16 =	simm.s32 $0x18980;
	[smem:$0x7FD] =	sst s31  }
0x2b: {  	s8 =	sshrl.u32 s21, $0x1;
	s18 =	simm.s32 $0x18A00;
	[smem:$0x7F2] =	sst s16  }
0x2c: {  	s4 =	simm.s32 $0x12000;
	s19 =	simm.s32 $0x18E00;
	[smem:$0x7F4] =	sst s18  }
0x2d: {  	s7 =	ssub.s32 s21, s8;
	s20 =	simm.s32 $0x18A80;
	[smem:$0x7F5] =	sst s19  }
0x2e: {  	s8 =	sadd.s32 $0x100, s0;
	s21 =	simm.s32 $0x18E80;
	[smem:$0x7F6] =	sst s20  }
0x2f: {  	s22 =	simm.s32 $0x18B00;
	s23 =	simm.s32 $0x18F00;
	[smem:$0x7F7] =	sst s21  }
0x30: {  	s24 =	simm.s32 $0x18B80;
	s25 =	simm.s32 $0x9800;
	[smem:$0x7F8] =	sst s22  }
0x31: {  	v2 =	vlaneseq.u32;
	s26 =	simm.s32 $0xA000;
	s10 =	smax.u32 s7, $0x1;
	[smem:$0x7F9] =	sst s23  }
0x32: {  	vm0 =	vmmov $0xffff;
	v1 =	vshrl.u32 v2, $0x3;
	s22 =	simm.s32 $0x80;
	[smem:$0x7FA] =	sst s24;
	s20 =	simm.s32 $0x5800  }
0x33: {  	v0 =	vand.u32 $0x7, v2;
	v2 =	vor.u32 $0x8, v2;
	v1 =	vmul.u32 $0x8, v1;
	s21 =	simm.s32 $0x7000;
	s23 =	simm.s32 $0x7800;
	s24 =	simm.s32 $0x9000  }
.LBB2_1:
0x34: {  	s31 =	rddreg [dreg:$0x8]  }
0x35: {  	s1 =	rddreg [dreg:$0x1b]  }
0x36: {  	[tilespmem:s1], [sflag:$0x9] =	stream.linear.gather [hbm4b:s31+s5], $0x400, $0x38;
	[tilespmem:$0x19800] =	vst v63  }
0x37: {  	_ =	swait.ge [sflag:s11], $0x400  }
0x38: {  	s13 =	sld [smem:$0x7F0]  }
0x39: {  	[sflag:s11] =	ssyncset.done $0x0  }
0x3a: {  	s12 =	simm.s32 $0x18400;
	[sflag:s11] =	ssyncadd.s32 $0xFFFFFC00  }
0x3b: {  	[tilespmem:s12], [sflag:$0x9] =	stream.linear.gather [hbm4b:s13+s5], $0x80, $0x38;
	[tilespmem:$0x19800] =	vst v63  }
0x3c: {  	_ =	swait.ge [sflag:s11], $0x80  }
0x3d: {  	[sflag:s11] =	ssyncset.done $0x0  }
0x3e: {  	s13 =	simm.s32 $0x18480;
	s14 =	rddreg [dreg:$0x9];
	[sflag:s11] =	ssyncadd.s32 $0xFFFFFF80  }
0x3f: {  	[tilespmem:s13], [sflag:$0x9] =	stream.linear.gather [hbm4b:s14+s5], $0x80, $0x38;
	[tilespmem:$0x19800] =	vst v63  }
0x40: {  	_ =	swait.ge [sflag:s11], $0x80  }
0x41: {  	[sflag:s11] =	ssyncset.done $0x0  }
0x42: {  	s14 =	simm.s32 $0x18500;
	s15 =	rddreg [dreg:$0xa];
	[sflag:s11] =	ssyncadd.s32 $0xFFFFFF80  }
0x43: {  	[tilespmem:s14], [sflag:$0x9] =	stream.linear.gather [hbm4b:s15+s5], $0x80, $0x38;
	[tilespmem:$0x19800] =	vst v63  }
0x44: {  	_ =	swait.ge [sflag:s11], $0x80  }
0x45: {  	[sflag:s11] =	ssyncset.done $0x0  }
0x46: {  	s15 =	simm.s32 $0x18580;
	s16 =	rddreg [dreg:$0xb];
	[sflag:s11] =	ssyncadd.s32 $0xFFFFFF80  }
0x47: {  	[tilespmem:s15], [sflag:$0x9] =	stream.linear.gather [hbm4b:s16+s5], $0x80, $0x38;
	[tilespmem:$0x19800] =	vst v63  }
0x48: {  	_ =	swait.ge [sflag:s11], $0x80  }
0x49: {  	[sflag:s11] =	ssyncset.done $0x0  }
0x4a: {  	s16 =	simm.s32 $0x18600;
	s17 =	rddreg [dreg:$0xc];
	[sflag:s11] =	ssyncadd.s32 $0xFFFFFF80  }
0x4b: {  	[tilespmem:s16], [sflag:$0x9] =	stream.linear.gather [hbm4b:s17+s5], $0x80, $0x38;
	[tilespmem:$0x19800] =	vst v63  }
0x4c: {  	_ =	swait.ge [sflag:s11], $0x80  }
0x4d: {  	[sflag:s11] =	ssyncset.done $0x0  }
0x4e: {  	s17 =	simm.s32 $0x18680;
	s18 =	rddreg [dreg:$0xd];
	[sflag:s11] =	ssyncadd.s32 $0xFFFFFF80  }
0x4f: {  	[tilespmem:s17], [sflag:$0x9] =	stream.linear.gather [hbm4b:s18+s5], $0x80, $0x38;
	[tilespmem:$0x19800] =	vst v63  }
0x50: {  	_ =	swait.ge [sflag:s11], $0x80  }
0x51: {  	[sflag:s11] =	ssyncset.done $0x0  }
0x52: {  	s18 =	simm.s32 $0x18700;
	s19 =	rddreg [dreg:$0xe];
	[sflag:s11] =	ssyncadd.s32 $0xFFFFFF80  }
0x53: {  	[tilespmem:s18], [sflag:$0x9] =	stream.linear.gather [hbm4b:s19+s5], $0x80, $0x38;
	[tilespmem:$0x19800] =	vst v63  }
0x54: {  	_ =	swait.ge [sflag:s11], $0x80  }
0x55: {  	[sflag:s11] =	ssyncset.done $0x0  }
0x56: {  	s19 =	simm.s32 $0x18780;
	s31 =	rddreg [dreg:$0xf];
	[sflag:s11] =	ssyncadd.s32 $0xFFFFFF80  }
0x57: {  	[tilespmem:s19], [sflag:$0x9] =	stream.linear.gather [hbm4b:s31+s5], $0x80, $0x38;
	[tilespmem:$0x19800] =	vst v63  }
0x58: {  	_ =	swait.ge [sflag:s11], $0x80  }
0x59: {  	[sflag:s11] =	ssyncset.done $0x0  }
0x5a: {  	s6 =	simm.s32 $0x18800;
	s2 =	rddreg [dreg:$0x10];
	[sflag:s11] =	ssyncadd.s32 $0xFFFFFF80  }
0x5b: {  	[tilespmem:s6], [sflag:$0x9] =	stream.linear.gather [hbm4b:s2+s5], $0x400, $0x38;
	[tilespmem:$0x19800] =	vst v63  }
0x5c: {  	_ =	swait.ge [sflag:s11], $0x400  }
0x5d: {  	[sflag:s11] =	ssyncset.done $0x0  }
0x5e: {  	s7 =	simm.s32 $0x18C00;
	s3 =	rddreg [dreg:$0x11];
	[sflag:s11] =	ssyncadd.s32 $0xFFFFFC00  }
0x5f: {  	[tilespmem:s7], [sflag:$0x9] =	stream.linear.gather [hbm4b:s3+s5], $0x400, $0x38;
	[tilespmem:$0x19800] =	vst v63  }
0x60: {  	_ =	swait.ge [sflag:s11], $0x400  }
0x61: {  	[sflag:s11] =	ssyncset.done $0x0  }
0x62: {  	[sflag:s11] =	ssyncadd.s32 $0xFFFFFC00  }
0x63: {  	s2 =	rddreg [dreg:$0x5]  }
0x64: {  	[spmem:s2] =	stream.indirect.scatter [tilespmem:s6], [sflag:$0x9], $0x1, s12, s22, $0xb8;
	[tilespmem:$0x19800] =	vst v63  }
0x65: {  	_ =	swait.ge [sflag:s11], $0x80  }
0x66: {  	[sflag:s11] =	ssyncset.done $0x0  }
0x67: {  	[sflag:s11] =	ssyncadd.s32 $0xFFFFFF80  }
0x68: {  	s3 =	rddreg [dreg:$0x6]  }
0x69: {  	[spmem:s3] =	stream.indirect.scatter [tilespmem:s7], [sflag:$0x9], $0x1, s12, s22, $0xb8;
	[tilespmem:$0x19800] =	vst v63  }
0x6a: {  	_ =	swait.ge [sflag:s11], $0x80  }
0x6b: {  	[sflag:s11] =	ssyncset.done $0x0  }
0x6c: {  	s7 =	rddreg [dreg:$0x1c];
	[sflag:s11] =	ssyncadd.s32 $0xFFFFFF80  }
0x6d: {  	[spmem:s2] =	stream.indirect.scatter [tilespmem:s7], [sflag:$0x9], $0x1, s13, s22, $0xb8;
	[tilespmem:$0x19800] =	vst v63  }
0x6e: {  	_ =	swait.ge [sflag:s11], $0x80  }
0x6f: {  	[sflag:s11] =	ssyncset.done $0x0  }
0x70: {  	s12 =	rddreg [dreg:$0x1d];
	[sflag:s11] =	ssyncadd.s32 $0xFFFFFF80  }
0x71: {  	[spmem:s3] =	stream.indirect.scatter [tilespmem:s12], [sflag:$0x9], $0x1, s13, s22, $0xb8;
	[tilespmem:$0x19800] =	vst v63  }
0x72: {  	_ =	swait.ge [sflag:s11], $0x80  }
0x73: {  	[sflag:s11] =	ssyncset.done $0x0  }
0x74: {  	s13 =	rddreg [dreg:$0x1e];
	[sflag:s11] =	ssyncadd.s32 $0xFFFFFF80  }
0x75: {  	[spmem:s2] =	stream.indirect.scatter [tilespmem:s13], [sflag:$0x9], $0x1, s14, s22, $0xb8;
	[tilespmem:$0x19800] =	vst v63  }
0x76: {  	_ =	swait.ge [sflag:s11], $0x80  }
0x77: {  	[sflag:s11] =	ssyncset.done $0x0  }
0x78: {  	s31 =	rddreg [dreg:$0x1f];
	[sflag:s11] =	ssyncadd.s32 $0xFFFFFF80  }
0x79: {  	[spmem:s3] =	stream.indirect.scatter [tilespmem:s31], [sflag:$0x9], $0x1, s14, s22, $0xb8;
	[tilespmem:$0x19800] =	vst v63  }
0x7a: {  	_ =	swait.ge [sflag:s11], $0x80  }
0x7b: {  	s6 =	sld [smem:$0x7F2]  }
0x7c: {  	[sflag:s11] =	ssyncset.done $0x0  }
0x7d: {  	[sflag:s11] =	ssyncadd.s32 $0xFFFFFF80  }
0x7e: {  	[spmem:s2] =	stream.indirect.scatter [tilespmem:s6], [sflag:$0x9], $0x1, s15, s22, $0xb8;
	[tilespmem:$0x19800] =	vst v63  }
0x7f: {  	_ =	swait.ge [sflag:s11], $0x80  }
0x80: {  	s7 =	sld [smem:$0x7F3]  }
0x81: {  	[sflag:s11] =	ssyncset.done $0x0  }
0x82: {  	[sflag:s11] =	ssyncadd.s32 $0xFFFFFF80  }
0x83: {  	[spmem:s3] =	stream.indirect.scatter [tilespmem:s7], [sflag:$0x9], $0x1, s15, s22, $0xb8;
	[tilespmem:$0x19800] =	vst v63  }
0x84: {  	_ =	swait.ge [sflag:s11], $0x80  }
0x85: {  	s12 =	sld [smem:$0x7F4]  }
0x86: {  	[sflag:s11] =	ssyncset.done $0x0  }
0x87: {  	[sflag:s11] =	ssyncadd.s32 $0xFFFFFF80  }
0x88: {  	[spmem:s2] =	stream.indirect.scatter [tilespmem:s12], [sflag:$0x9], $0x1, s16, s22, $0xb8;
	[tilespmem:$0x19800] =	vst v63  }
0x89: {  	_ =	swait.ge [sflag:s11], $0x80  }
0x8a: {  	s13 =	sld [smem:$0x7F5]  }
0x8b: {  	[sflag:s11] =	ssyncset.done $0x0  }
0x8c: {  	[sflag:s11] =	ssyncadd.s32 $0xFFFFFF80  }
0x8d: {  	[spmem:s3] =	stream.indirect.scatter [tilespmem:s13], [sflag:$0x9], $0x1, s16, s22, $0xb8;
	[tilespmem:$0x19800] =	vst v63  }
0x8e: {  	_ =	swait.ge [sflag:s11], $0x80  }
0x8f: {  	s14 =	sld [smem:$0x7F6]  }
0x90: {  	[sflag:s11] =	ssyncset.done $0x0  }
0x91: {  	[sflag:s11] =	ssyncadd.s32 $0xFFFFFF80  }
0x92: {  	[spmem:s2] =	stream.indirect.scatter [tilespmem:s14], [sflag:$0x9], $0x1, s17, s22, $0xb8;
	[tilespmem:$0x19800] =	vst v63  }
0x93: {  	_ =	swait.ge [sflag:s11], $0x80  }
0x94: {  	s15 =	sld [smem:$0x7F7]  }
0x95: {  	[sflag:s11] =	ssyncset.done $0x0  }
0x96: {  	[sflag:s11] =	ssyncadd.s32 $0xFFFFFF80  }
0x97: {  	[spmem:s3] =	stream.indirect.scatter [tilespmem:s15], [sflag:$0x9], $0x1, s17, s22, $0xb8;
	[tilespmem:$0x19800] =	vst v63  }
0x98: {  	_ =	swait.ge [sflag:s11], $0x80  }
0x99: {  	s16 =	sld [smem:$0x7F8]  }
0x9a: {  	[sflag:s11] =	ssyncset.done $0x0  }
0x9b: {  	[sflag:s11] =	ssyncadd.s32 $0xFFFFFF80  }
0x9c: {  	[spmem:s2] =	stream.indirect.scatter [tilespmem:s16], [sflag:$0x9], $0x1, s18, s22, $0xb8;
	[tilespmem:$0x19800] =	vst v63  }
0x9d: {  	_ =	swait.ge [sflag:s11], $0x80  }
0x9e: {  	s17 =	sld [smem:$0x7F9]  }
0x9f: {  	[sflag:s11] =	ssyncset.done $0x0  }
0xa0: {  	[sflag:s11] =	ssyncadd.s32 $0xFFFFFF80  }
0xa1: {  	[spmem:s3] =	stream.indirect.scatter [tilespmem:s17], [sflag:$0x9], $0x1, s18, s22, $0xb8;
	[tilespmem:$0x19800] =	vst v63  }
0xa2: {  	_ =	swait.ge [sflag:s11], $0x80  }
0xa3: {  	s18 =	sld [smem:$0x7FA]  }
0xa4: {  	[sflag:s11] =	ssyncset.done $0x0  }
0xa5: {  	[sflag:s11] =	ssyncadd.s32 $0xFFFFFF80  }
0xa6: {  	[spmem:s2] =	stream.indirect.scatter [tilespmem:s18], [sflag:$0x9], $0x1, s19, s22, $0xb8;
	[tilespmem:$0x19800] =	vst v63  }
0xa7: {  	_ =	swait.ge [sflag:s11], $0x80  }
0xa8: {  	s31 =	sld [smem:$0x7FB]  }
0xa9: {  	[sflag:s11] =	ssyncset.done $0x0  }
0xaa: {  	[sflag:s11] =	ssyncadd.s32 $0xFFFFFF80  }
0xab: {  	[spmem:s3] =	stream.indirect.scatter [tilespmem:s31], [sflag:$0x9], $0x1, s19, s22, $0xb8;
	[tilespmem:$0x19800] =	vst v63  }
0xac: {  	_ =	swait.ge [sflag:s11], $0x80  }
0xad: {  	[sflag:s11] =	ssyncset.done $0x0  }
0xae: {  	[sflag:s11] =	ssyncadd.s32 $0xFFFFFF80  }
0xaf: {  	v3 =	vld [tilespmem:$0x18000];
	_ =	sdelay $0x4  }
0xb0: {  	v4 =	vshrl.u32 v3, $0x3  }
0xb1: {  	v4 =	vmul.u32 $0x30, v4  }
0xb2: {  	v3 =	vand.u32 $0x7, v3  }
0xb3: {  	v3 =	vor.u32 v3, v4  }
0xb4: {  	v4 =	vperm.xlane v3, v0;
	_ =	sdelay $0x1  }
0xb5: {  	v4 =	vadd.s32 v1, v4;
	_ =	sdelay $0x3  }
0xb6: {  	v3 =	vperm.xlane v3, v2  }
0xb7: {  	[tilespmem:s5], [sflag:$0x1] =	stream.indirect_vreg.gather [hbm4b:s0+s5], $0x80, v4, vm0, $0xb8;
	[tilespmem:$0x19800] =	vst v63  }
0xb8: {  	s7 =	simm.s32 $0x800;
	v3 =	vadd.s32 v1, v3  }
0xb9: {  	[tilespmem:s7], [sflag:$0x1] =	stream.indirect_vreg.gather [hbm4b:s8+s5], $0x80, v4, vm0, $0xb8;
	[tilespmem:$0x19800] =	vst v63  }
0xba: {  	s31 =	simm.s32 $0x1000  }
0xbb: {  	[tilespmem:s31], [sflag:$0x1] =	stream.indirect_vreg.gather [hbm4b:s9+s5], $0x80, v4, vm0, $0xb8;
	[tilespmem:$0x19800] =	vst v63  }
0xbc: {  	s12 =	simm.s32 $0x1800  }
0xbd: {  	[tilespmem:s12], [sflag:$0x1] =	stream.indirect_vreg.gather [hbm4b:s0+s5], $0x80, v3, vm0, $0xb8;
	[tilespmem:$0x19800] =	vst v63  }
0xbe: {  	s13 =	simm.s32 $0x2000  }
0xbf: {  	[tilespmem:s13], [sflag:$0x1] =	stream.indirect_vreg.gather [hbm4b:s8+s5], $0x80, v3, vm0, $0xb8;
	[tilespmem:$0x19800] =	vst v63  }
0xc0: {  	s14 =	simm.s32 $0x2800  }
0xc1: {  	[tilespmem:s14], [sflag:$0x1] =	stream.indirect_vreg.gather [hbm4b:s9+s5], $0x80, v3, vm0, $0xb8;
	[tilespmem:$0x19800] =	vst v63  }
0xc2: {  	v3 =	vld [tilespmem:$0x18010];
	_ =	sdelay $0x4  }
0xc3: {  	v49 =	vshrl.u32 v3, $0x3  }
0xc4: {  	v4 =	vmul.u32 $0x30, v49  }
0xc5: {  	v3 =	vand.u32 $0x7, v3  }
0xc6: {  	v3 =	vor.u32 v3, v4  }
0xc7: {  	v4 =	vperm.xlane v3, v0;
	_ =	sdelay $0x1  }
0xc8: {  	v4 =	vadd.s32 v1, v4;
	_ =	sdelay $0x3  }
0xc9: {  	s15 =	simm.s32 $0x3000;
	v3 =	vperm.xlane v3, v2  }
0xca: {  	[tilespmem:s15], [sflag:$0x1] =	stream.indirect_vreg.gather [hbm4b:s0+s5], $0x80, v4, vm0, $0xb8;
	[tilespmem:$0x19800] =	vst v63  }
0xcb: {  	s16 =	simm.s32 $0x3800;
	v3 =	vadd.s32 v1, v3  }
0xcc: {  	[tilespmem:s16], [sflag:$0x1] =	stream.indirect_vreg.gather [hbm4b:s8+s5], $0x80, v4, vm0, $0xb8;
	[tilespmem:$0x19800] =	vst v63  }
0xcd: {  	s17 =	simm.s32 $0x4000  }
0xce: {  	[tilespmem:s17], [sflag:$0x1] =	stream.indirect_vreg.gather [hbm4b:s9+s5], $0x80, v4, vm0, $0xb8;
	[tilespmem:$0x19800] =	vst v63  }
0xcf: {  	s18 =	simm.s32 $0x4800  }
0xd0: {  	[tilespmem:s18], [sflag:$0x1] =	stream.indirect_vreg.gather [hbm4b:s0+s5], $0x80, v3, vm0, $0xb8;
	[tilespmem:$0x19800] =	vst v63  }
0xd1: {  	s19 =	simm.s32 $0x5000  }
0xd2: {  	[tilespmem:s19], [sflag:$0x1] =	stream.indirect_vreg.gather [hbm4b:s8+s5], $0x80, v3, vm0, $0xb8;
	[tilespmem:$0x19800] =	vst v63  }
0xd3: {  	_ = 	snop  }
0xd4: {  	[tilespmem:s20], [sflag:$0x1] =	stream.indirect_vreg.gather [hbm4b:s9+s5], $0x80, v3, vm0, $0xb8;
	[tilespmem:$0x19800] =	vst v63  }
0xd5: {  	v3 =	vld [tilespmem:$0x18080];
	_ =	sdelay $0x4  }
0xd6: {  	v50 =	vshrl.u32 v3, $0x3  }
0xd7: {  	v4 =	vmul.u32 $0x30, v50  }
0xd8: {  	v3 =	vand.u32 $0x7, v3  }
0xd9: {  	v3 =	vor.u32 v3, v4  }
0xda: {  	v4 =	vperm.xlane v3, v0;
	_ =	sdelay $0x1  }
0xdb: {  	v4 =	vadd.s32 v1, v4;
	_ =	sdelay $0x3  }
0xdc: {  	s2 =	simm.s32 $0x6000;
	v3 =	vperm.xlane v3, v2  }
0xdd: {  	[tilespmem:s2], [sflag:$0x2] =	stream.indirect_vreg.gather [hbm4b:s0+s5], $0x80, v4, vm0, $0xb8;
	[tilespmem:$0x19800] =	vst v63  }
0xde: {  	s3 =	simm.s32 $0x6800;
	v3 =	vadd.s32 v1, v3  }
0xdf: {  	[tilespmem:s3], [sflag:$0x2] =	stream.indirect_vreg.gather [hbm4b:s8+s5], $0x80, v4, vm0, $0xb8;
	[tilespmem:$0x19800] =	vst v63  }
0xe0: {  	_ = 	snop  }
0xe1: {  	[tilespmem:s21], [sflag:$0x2] =	stream.indirect_vreg.gather [hbm4b:s9+s5], $0x80, v4, vm0, $0xb8;
	[tilespmem:$0x19800] =	vst v63  }
0xe2: {  	_ = 	snop  }
0xe3: {  	[tilespmem:s23], [sflag:$0x2] =	stream.indirect_vreg.gather [hbm4b:s0+s5], $0x80, v3, vm0, $0xb8;
	[tilespmem:$0x19800] =	vst v63  }
0xe4: {  	s6 =	simm.s32 $0x8000  }
0xe5: {  	[tilespmem:s6], [sflag:$0x2] =	stream.indirect_vreg.gather [hbm4b:s8+s5], $0x80, v3, vm0, $0xb8;
	[tilespmem:$0x19800] =	vst v63  }
0xe6: {  	s2 =	simm.s32 $0x8800  }
0xe7: {  	[tilespmem:s2], [sflag:$0x2] =	stream.indirect_vreg.gather [hbm4b:s9+s5], $0x80, v3, vm0, $0xb8;
	[tilespmem:$0x19800] =	vst v63  }
0xe8: {  	v3 =	vld [tilespmem:$0x18090];
	_ =	sdelay $0x4  }
0xe9: {  	v51 =	vshrl.u32 v3, $0x3  }
0xea: {  	v4 =	vmul.u32 $0x30, v51  }
0xeb: {  	v3 =	vand.u32 $0x7, v3  }
0xec: {  	v3 =	vor.u32 v3, v4  }
0xed: {  	v4 =	vperm.xlane v3, v0;
	_ =	sdelay $0x1  }
0xee: {  	v4 =	vadd.s32 v1, v4;
	_ =	sdelay $0x3  }
0xef: {  	v3 =	vperm.xlane v3, v2  }
0xf0: {  	[tilespmem:s24], [sflag:$0x2] =	stream.indirect_vreg.gather [hbm4b:s0+s5], $0x80, v4, vm0, $0xb8;
	[tilespmem:$0x19800] =	vst v63  }
0xf1: {  	v3 =	vadd.s32 v1, v3  }
0xf2: {  	[tilespmem:s25], [sflag:$0x2] =	stream.indirect_vreg.gather [hbm4b:s8+s5], $0x80, v4, vm0, $0xb8;
	[tilespmem:$0x19800] =	vst v63  }
0xf3: {  	_ = 	snop  }
0xf4: {  	[tilespmem:s26], [sflag:$0x2] =	stream.indirect_vreg.gather [hbm4b:s9+s5], $0x80, v4, vm0, $0xb8;
	[tilespmem:$0x19800] =	vst v63  }
0xf5: {  	_ = 	snop  }
0xf6: {  	[tilespmem:s28], [sflag:$0x2] =	stream.indirect_vreg.gather [hbm4b:s0+s5], $0x80, v3, vm0, $0xb8;
	[tilespmem:$0x19800] =	vst v63  }
0xf7: {  	_ = 	snop  }
0xf8: {  	[tilespmem:s29], [sflag:$0x2] =	stream.indirect_vreg.gather [hbm4b:s8+s5], $0x80, v3, vm0, $0xb8;
	[tilespmem:$0x19800] =	vst v63  }
0xf9: {  	_ = 	snop  }
0xfa: {  	[tilespmem:s30], [sflag:$0x2] =	stream.indirect_vreg.gather [hbm4b:s9+s5], $0x80, v3, vm0, $0xb8;
	[tilespmem:$0x19800] =	vst v63  }
0xfb: {  	v3 =	vld [tilespmem:$0x18100];
	_ =	sdelay $0x4  }
0xfc: {  	v52 =	vshrl.u32 v3, $0x3  }
0xfd: {  	v4 =	vmul.u32 $0x30, v52  }
0xfe: {  	v3 =	vand.u32 $0x7, v3  }
0xff: {  	v3 =	vor.u32 v3, v4  }
0x100: {  	v4 =	vperm.xlane v3, v0;
	_ =	sdelay $0x1  }
0x101: {  	v4 =	vadd.s32 v1, v4;
	_ =	sdelay $0x3  }
0x102: {  	s6 =	simm.s32 $0xC000;
	v3 =	vperm.xlane v3, v2  }
0x103: {  	[tilespmem:s6], [sflag:$0x3] =	stream.indirect_vreg.gather [hbm4b:s0+s5], $0x80, v4, vm0, $0xb8;
	[tilespmem:$0x19800] =	vst v63  }
0x104: {  	s3 =	simm.s32 $0xC800;
	v3 =	vadd.s32 v1, v3  }
0x105: {  	[tilespmem:s3], [sflag:$0x3] =	stream.indirect_vreg.gather [hbm4b:s8+s5], $0x80, v4, vm0, $0xb8;
	[tilespmem:$0x19800] =	vst v63  }
0x106: {  	s2 =	simm.s32 $0xD000  }
0x107: {  	[tilespmem:s2], [sflag:$0x3] =	stream.indirect_vreg.gather [hbm4b:s9+s5], $0x80, v4, vm0, $0xb8;
	[tilespmem:$0x19800] =	vst v63  }
0x108: {  	s3 =	simm.s32 $0xD800  }
0x109: {  	[tilespmem:s3], [sflag:$0x3] =	stream.indirect_vreg.gather [hbm4b:s0+s5], $0x80, v3, vm0, $0xb8;
	[tilespmem:$0x19800] =	vst v63  }
0x10a: {  	s2 =	simm.s32 $0xE000  }
0x10b: {  	[tilespmem:s2], [sflag:$0x3] =	stream.indirect_vreg.gather [hbm4b:s8+s5], $0x80, v3, vm0, $0xb8;
	[tilespmem:$0x19800] =	vst v63  }
0x10c: {  	s3 =	simm.s32 $0xE800  }
0x10d: {  	[tilespmem:s3], [sflag:$0x3] =	stream.indirect_vreg.gather [hbm4b:s9+s5], $0x80, v3, vm0, $0xb8;
	[tilespmem:$0x19800] =	vst v63  }
0x10e: {  	v3 =	vld [tilespmem:$0x18110];
	_ =	sdelay $0x4  }
0x10f: {  	v53 =	vshrl.u32 v3, $0x3  }
0x110: {  	v4 =	vmul.u32 $0x30, v53  }
0x111: {  	v3 =	vand.u32 $0x7, v3  }
0x112: {  	v3 =	vor.u32 v3, v4  }
0x113: {  	v4 =	vperm.xlane v3, v0;
	_ =	sdelay $0x1  }
0x114: {  	v4 =	vadd.s32 v1, v4;
	_ =	sdelay $0x3  }
0x115: {  	s2 =	simm.s32 $0xF000;
	v3 =	vperm.xlane v3, v2  }
0x116: {  	[tilespmem:s2], [sflag:$0x3] =	stream.indirect_vreg.gather [hbm4b:s0+s5], $0x80, v4, vm0, $0xb8;
	[tilespmem:$0x19800] =	vst v63  }
0x117: {  	s3 =	simm.s32 $0xF800;
	v3 =	vadd.s32 v1, v3  }
0x118: {  	[tilespmem:s3], [sflag:$0x3] =	stream.indirect_vreg.gather [hbm4b:s8+s5], $0x80, v4, vm0, $0xb8;
	[tilespmem:$0x19800] =	vst v63  }
0x119: {  	s2 =	simm.s32 $0x10000  }
0x11a: {  	[tilespmem:s2], [sflag:$0x3] =	stream.indirect_vreg.gather [hbm4b:s9+s5], $0x80, v4, vm0, $0xb8;
	[tilespmem:$0x19800] =	vst v63  }
0x11b: {  	s3 =	simm.s32 $0x10800  }
0x11c: {  	[tilespmem:s3], [sflag:$0x3] =	stream.indirect_vreg.gather [hbm4b:s0+s5], $0x80, v3, vm0, $0xb8;
	[tilespmem:$0x19800] =	vst v63  }
0x11d: {  	s2 =	simm.s32 $0x11000  }
0x11e: {  	[tilespmem:s2], [sflag:$0x3] =	stream.indirect_vreg.gather [hbm4b:s8+s5], $0x80, v3, vm0, $0xb8;
	[tilespmem:$0x19800] =	vst v63  }
0x11f: {  	s3 =	simm.s32 $0x11800  }
0x120: {  	[tilespmem:s3], [sflag:$0x3] =	stream.indirect_vreg.gather [hbm4b:s9+s5], $0x80, v3, vm0, $0xb8;
	[tilespmem:$0x19800] =	vst v63  }
0x121: {  	v3 =	vld [tilespmem:$0x18180];
	_ =	sdelay $0x4  }
0x122: {  	v54 =	vshrl.u32 v3, $0x3  }
0x123: {  	v4 =	vmul.u32 $0x30, v54  }
0x124: {  	v3 =	vand.u32 $0x7, v3  }
0x125: {  	v3 =	vor.u32 v3, v4  }
0x126: {  	v4 =	vperm.xlane v3, v0;
	_ =	sdelay $0x1  }
0x127: {  	v4 =	vadd.s32 v1, v4;
	_ =	sdelay $0x3  }
0x128: {  	v3 =	vperm.xlane v3, v2  }
0x129: {  	[tilespmem:s4], [sflag:$0x4] =	stream.indirect_vreg.gather [hbm4b:s0+s5], $0x80, v4, vm0, $0xb8;
	[tilespmem:$0x19800] =	vst v63  }
0x12a: {  	s2 =	simm.s32 $0x12800;
	v3 =	vadd.s32 v1, v3  }
0x12b: {  	[tilespmem:s2], [sflag:$0x4] =	stream.indirect_vreg.gather [hbm4b:s8+s5], $0x80, v4, vm0, $0xb8;
	[tilespmem:$0x19800] =	vst v63  }
0x12c: {  	s3 =	simm.s32 $0x13000  }
0x12d: {  	[tilespmem:s3], [sflag:$0x4] =	stream.indirect_vreg.gather [hbm4b:s9+s5], $0x80, v4, vm0, $0xb8;
	[tilespmem:$0x19800] =	vst v63  }
0x12e: {  	s2 =	simm.s32 $0x13800  }
0x12f: {  	[tilespmem:s2], [sflag:$0x4] =	stream.indirect_vreg.gather [hbm4b:s0+s5], $0x80, v3, vm0, $0xb8;
	[tilespmem:$0x19800] =	vst v63  }
0x130: {  	s3 =	simm.s32 $0x14000  }
0x131: {  	[tilespmem:s3], [sflag:$0x4] =	stream.indirect_vreg.gather [hbm4b:s8+s5], $0x80, v3, vm0, $0xb8;
	[tilespmem:$0x19800] =	vst v63  }
0x132: {  	s2 =	simm.s32 $0x14800  }
0x133: {  	[tilespmem:s2], [sflag:$0x4] =	stream.indirect_vreg.gather [hbm4b:s9+s5], $0x80, v3, vm0, $0xb8;
	[tilespmem:$0x19800] =	vst v63  }
0x134: {  	v3 =	vld [tilespmem:$0x18190];
	_ =	sdelay $0x4  }
0x135: {  	v55 =	vshrl.u32 v3, $0x3  }
0x136: {  	v4 =	vmul.u32 $0x30, v55  }
0x137: {  	v3 =	vand.u32 $0x7, v3  }
0x138: {  	v3 =	vor.u32 v3, v4  }
0x139: {  	v4 =	vperm.xlane v3, v0;
	_ =	sdelay $0x1  }
0x13a: {  	v4 =	vadd.s32 v1, v4;
	_ =	sdelay $0x3  }
0x13b: {  	s3 =	simm.s32 $0x15000;
	v3 =	vperm.xlane v3, v2  }
0x13c: {  	[tilespmem:s3], [sflag:$0x4] =	stream.indirect_vreg.gather [hbm4b:s0+s5], $0x80, v4, vm0, $0xb8;
	[tilespmem:$0x19800] =	vst v63  }
0x13d: {  	s2 =	simm.s32 $0x15800;
	v3 =	vadd.s32 v1, v3  }
0x13e: {  	[tilespmem:s2], [sflag:$0x4] =	stream.indirect_vreg.gather [hbm4b:s8+s5], $0x80, v4, vm0, $0xb8;
	[tilespmem:$0x19800] =	vst v63  }
0x13f: {  	s3 =	simm.s32 $0x16000  }
0x140: {  	[tilespmem:s3], [sflag:$0x4] =	stream.indirect_vreg.gather [hbm4b:s9+s5], $0x80, v4, vm0, $0xb8;
	[tilespmem:$0x19800] =	vst v63  }
0x141: {  	s2 =	simm.s32 $0x16800  }
0x142: {  	[tilespmem:s2], [sflag:$0x4] =	stream.indirect_vreg.gather [hbm4b:s0+s5], $0x80, v3, vm0, $0xb8;
	[tilespmem:$0x19800] =	vst v63  }
0x143: {  	s3 =	simm.s32 $0x17000  }
0x144: {  	[tilespmem:s3], [sflag:$0x4] =	stream.indirect_vreg.gather [hbm4b:s8+s5], $0x80, v3, vm0, $0xb8;
	[tilespmem:$0x19800] =	vst v63  }
0x145: {  	s2 =	simm.s32 $0x17800  }
0x146: {  	[tilespmem:s2], [sflag:$0x4] =	stream.indirect_vreg.gather [hbm4b:s9+s5], $0x80, v3, vm0, $0xb8;
	[tilespmem:$0x19800] =	vst v63  }
0x147: {  	s2 =	simm.s32 $0x1  }
0x148: {  	_ =	swait.ge [sflag:s2], $0x6000  }
0x149: {  	s3 =	sld [smem:$0x7F1]  }
0x14a: {  	[sflag:s2] =	ssyncset.done $0x0  }
0x14b: {  	[sflag:s2] =	ssyncadd.s32 $0xFFFFA000  }
0x14c: {  	[hbm4b:s3+s5] =	stream.linear.scatter [tilespmem:s5], [sflag:$0x5], $0x6000, $0x38;
	[tilespmem:$0x19800] =	vst v63  }
0x14d: {  	s3 =	simm.s32 $0x5  }
0x14e: {  	_ =	swait.ge [sflag:s3], $0x6000  }
0x14f: {  	[sflag:s3] =	ssyncset.done $0x0  }
0x150: {  	[sflag:s3] =	ssyncadd.s32 $0xFFFFA000  }
0x151: {  	v3 =	vld [tilespmem:$0x18200];
	_ =	sdelay $0x4  }
0x152: {  	v56 =	vshrl.u32 v3, $0x3  }
0x153: {  	v4 =	vmul.u32 $0x30, v56  }
0x154: {  	v3 =	vand.u32 $0x7, v3  }
0x155: {  	v3 =	vor.u32 v3, v4  }
0x156: {  	v4 =	vperm.xlane v3, v0;
	_ =	sdelay $0x1  }
0x157: {  	v4 =	vadd.s32 v1, v4;
	_ =	sdelay $0x3  }
0x158: {  	v3 =	vperm.xlane v3, v2  }
0x159: {  	[tilespmem:s5], [sflag:$0x1] =	stream.indirect_vreg.gather [hbm4b:s0+s5], $0x80, v4, vm0, $0xb8;
	[tilespmem:$0x19800] =	vst v63  }
0x15a: {  	v3 =	vadd.s32 v1, v3  }
0x15b: {  	[tilespmem:s7], [sflag:$0x1] =	stream.indirect_vreg.gather [hbm4b:s8+s5], $0x80, v4, vm0, $0xb8;
	[tilespmem:$0x19800] =	vst v63  }
0x15c: {  	_ = 	snop  }
0x15d: {  	[tilespmem:s31], [sflag:$0x1] =	stream.indirect_vreg.gather [hbm4b:s9+s5], $0x80, v4, vm0, $0xb8;
	[tilespmem:$0x19800] =	vst v63  }
0x15e: {  	_ = 	snop  }
0x15f: {  	[tilespmem:s12], [sflag:$0x1] =	stream.indirect_vreg.gather [hbm4b:s0+s5], $0x80, v3, vm0, $0xb8;
	[tilespmem:$0x19800] =	vst v63  }
0x160: {  	_ = 	snop  }
0x161: {  	[tilespmem:s13], [sflag:$0x1] =	stream.indirect_vreg.gather [hbm4b:s8+s5], $0x80, v3, vm0, $0xb8;
	[tilespmem:$0x19800] =	vst v63  }
0x162: {  	_ = 	snop  }
0x163: {  	[tilespmem:s14], [sflag:$0x1] =	stream.indirect_vreg.gather [hbm4b:s9+s5], $0x80, v3, vm0, $0xb8;
	[tilespmem:$0x19800] =	vst v63  }
0x164: {  	v3 =	vld [tilespmem:$0x18210];
	_ =	sdelay $0x4  }
0x165: {  	v57 =	vshrl.u32 v3, $0x3  }
0x166: {  	v4 =	vmul.u32 $0x30, v57  }
0x167: {  	v3 =	vand.u32 $0x7, v3  }
0x168: {  	v3 =	vor.u32 v3, v4  }
0x169: {  	v4 =	vperm.xlane v3, v0;
	_ =	sdelay $0x1  }
0x16a: {  	v4 =	vadd.s32 v1, v4;
	_ =	sdelay $0x3  }
0x16b: {  	v3 =	vperm.xlane v3, v2  }
0x16c: {  	[tilespmem:s15], [sflag:$0x1] =	stream.indirect_vreg.gather [hbm4b:s0+s5], $0x80, v4, vm0, $0xb8;
	[tilespmem:$0x19800] =	vst v63  }
0x16d: {  	v3 =	vadd.s32 v1, v3  }
0x16e: {  	[tilespmem:s16], [sflag:$0x1] =	stream.indirect_vreg.gather [hbm4b:s8+s5], $0x80, v4, vm0, $0xb8;
	[tilespmem:$0x19800] =	vst v63  }
0x16f: {  	_ = 	snop  }
0x170: {  	[tilespmem:s17], [sflag:$0x1] =	stream.indirect_vreg.gather [hbm4b:s9+s5], $0x80, v4, vm0, $0xb8;
	[tilespmem:$0x19800] =	vst v63  }
0x171: {  	_ = 	snop  }
0x172: {  	[tilespmem:s18], [sflag:$0x1] =	stream.indirect_vreg.gather [hbm4b:s0+s5], $0x80, v3, vm0, $0xb8;
	[tilespmem:$0x19800] =	vst v63  }
0x173: {  	_ = 	snop  }
0x174: {  	[tilespmem:s19], [sflag:$0x1] =	stream.indirect_vreg.gather [hbm4b:s8+s5], $0x80, v3, vm0, $0xb8;
	[tilespmem:$0x19800] =	vst v63  }
0x175: {  	s7 =	simm.s32 $0x2  }
0x176: {  	[tilespmem:s20], [sflag:$0x1] =	stream.indirect_vreg.gather [hbm4b:s9+s5], $0x80, v3, vm0, $0xb8;
	[tilespmem:$0x19800] =	vst v63  }
0x177: {  	_ =	swait.ge [sflag:s7], $0x6000  }
0x178: {  	s12 =	simm.s32 $0x6;
	[sflag:s7] =	ssyncset.done $0x0  }
0x179: {  	s18 =	simm.s32 $0x6000;
	s17 =	rddreg [dreg:$0x12];
	[sflag:s7] =	ssyncadd.s32 $0xFFFFA000  }
0x17a: {  	[hbm4b:s17+s5] =	stream.linear.scatter [tilespmem:s18], [sflag:$0x6], $0x6000, $0x38;
	[tilespmem:$0x19800] =	vst v63  }
0x17b: {  	_ =	swait.ge [sflag:s12], $0x6000  }
0x17c: {  	[sflag:s12] =	ssyncset.done $0x0  }
0x17d: {  	[sflag:s12] =	ssyncadd.s32 $0xFFFFA000  }
0x17e: {  	v3 =	vld [tilespmem:$0x18280];
	_ =	sdelay $0x4  }
0x17f: {  	v58 =	vshrl.u32 v3, $0x3  }
0x180: {  	v4 =	vmul.u32 $0x30, v58  }
0x181: {  	v3 =	vand.u32 $0x7, v3  }
0x182: {  	v3 =	vor.u32 v3, v4  }
0x183: {  	v4 =	vperm.xlane v3, v0;
	_ =	sdelay $0x1  }
0x184: {  	v4 =	vadd.s32 v1, v4;
	_ =	sdelay $0x3  }
0x185: {  	v3 =	vperm.xlane v3, v2  }
0x186: {  	[tilespmem:s18], [sflag:$0x2] =	stream.indirect_vreg.gather [hbm4b:s0+s5], $0x80, v4, vm0, $0xb8;
	[tilespmem:$0x19800] =	vst v63  }
0x187: {  	s19 =	simm.s32 $0x6800;
	v3 =	vadd.s32 v1, v3  }
0x188: {  	[tilespmem:s19], [sflag:$0x2] =	stream.indirect_vreg.gather [hbm4b:s8+s5], $0x80, v4, vm0, $0xb8;
	[tilespmem:$0x19800] =	vst v63  }
0x189: {  	_ = 	snop  }
0x18a: {  	[tilespmem:s21], [sflag:$0x2] =	stream.indirect_vreg.gather [hbm4b:s9+s5], $0x80, v4, vm0, $0xb8;
	[tilespmem:$0x19800] =	vst v63  }
0x18b: {  	_ = 	snop  }
0x18c: {  	[tilespmem:s23], [sflag:$0x2] =	stream.indirect_vreg.gather [hbm4b:s0+s5], $0x80, v3, vm0, $0xb8;
	[tilespmem:$0x19800] =	vst v63  }
0x18d: {  	s31 =	simm.s32 $0x8000  }
0x18e: {  	[tilespmem:s31], [sflag:$0x2] =	stream.indirect_vreg.gather [hbm4b:s8+s5], $0x80, v3, vm0, $0xb8;
	[tilespmem:$0x19800] =	vst v63  }
0x18f: {  	s13 =	simm.s32 $0x8800  }
0x190: {  	[tilespmem:s13], [sflag:$0x2] =	stream.indirect_vreg.gather [hbm4b:s9+s5], $0x80, v3, vm0, $0xb8;
	[tilespmem:$0x19800] =	vst v63  }
0x191: {  	v3 =	vld [tilespmem:$0x18290];
	_ =	sdelay $0x4  }
0x192: {  	v59 =	vshrl.u32 v3, $0x3  }
0x193: {  	v4 =	vmul.u32 $0x30, v59  }
0x194: {  	v3 =	vand.u32 $0x7, v3  }
0x195: {  	v3 =	vor.u32 v3, v4  }
0x196: {  	v4 =	vperm.xlane v3, v0;
	_ =	sdelay $0x1  }
0x197: {  	v4 =	vadd.s32 v1, v4;
	_ =	sdelay $0x3  }
0x198: {  	v3 =	vperm.xlane v3, v2  }
0x199: {  	[tilespmem:s24], [sflag:$0x2] =	stream.indirect_vreg.gather [hbm4b:s0+s5], $0x80, v4, vm0, $0xb8;
	[tilespmem:$0x19800] =	vst v63  }
0x19a: {  	v3 =	vadd.s32 v1, v3  }
0x19b: {  	[tilespmem:s25], [sflag:$0x2] =	stream.indirect_vreg.gather [hbm4b:s8+s5], $0x80, v4, vm0, $0xb8;
	[tilespmem:$0x19800] =	vst v63  }
0x19c: {  	_ = 	snop  }
0x19d: {  	[tilespmem:s26], [sflag:$0x2] =	stream.indirect_vreg.gather [hbm4b:s9+s5], $0x80, v4, vm0, $0xb8;
	[tilespmem:$0x19800] =	vst v63  }
0x19e: {  	_ = 	snop  }
0x19f: {  	[tilespmem:s28], [sflag:$0x2] =	stream.indirect_vreg.gather [hbm4b:s0+s5], $0x80, v3, vm0, $0xb8;
	[tilespmem:$0x19800] =	vst v63  }
0x1a0: {  	_ = 	snop  }
0x1a1: {  	[tilespmem:s29], [sflag:$0x2] =	stream.indirect_vreg.gather [hbm4b:s8+s5], $0x80, v3, vm0, $0xb8;
	[tilespmem:$0x19800] =	vst v63  }
0x1a2: {  	s13 =	simm.s32 $0x3  }
0x1a3: {  	[tilespmem:s30], [sflag:$0x2] =	stream.indirect_vreg.gather [hbm4b:s9+s5], $0x80, v3, vm0, $0xb8;
	[tilespmem:$0x19800] =	vst v63  }
0x1a4: {  	_ =	swait.ge [sflag:s13], $0x6000  }
0x1a5: {  	[sflag:s13] =	ssyncset.done $0x0  }
0x1a6: {  	s14 =	rddreg [dreg:$0x13];
	[sflag:s13] =	ssyncadd.s32 $0xFFFFA000  }
0x1a7: {  	[hbm4b:s14+s5] =	stream.linear.scatter [tilespmem:s6], [sflag:$0x7], $0x6000, $0x38;
	[tilespmem:$0x19800] =	vst v63  }
0x1a8: {  	s14 =	simm.s32 $0x7  }
0x1a9: {  	_ =	swait.ge [sflag:s14], $0x6000  }
0x1aa: {  	[sflag:s14] =	ssyncset.done $0x0  }
0x1ab: {  	[sflag:s14] =	ssyncadd.s32 $0xFFFFA000  }
0x1ac: {  	v3 =	vld [tilespmem:$0x18300];
	_ =	sdelay $0x4  }
0x1ad: {  	v60 =	vshrl.u32 v3, $0x3  }
0x1ae: {  	v4 =	vmul.u32 $0x30, v60  }
0x1af: {  	v3 =	vand.u32 $0x7, v3  }
0x1b0: {  	v3 =	vor.u32 v3, v4  }
0x1b1: {  	v4 =	vperm.xlane v3, v0;
	_ =	sdelay $0x1  }
0x1b2: {  	v4 =	vadd.s32 v1, v4;
	_ =	sdelay $0x3  }
0x1b3: {  	v3 =	vperm.xlane v3, v2  }
0x1b4: {  	[tilespmem:s6], [sflag:$0x3] =	stream.indirect_vreg.gather [hbm4b:s0+s5], $0x80, v4, vm0, $0xb8;
	[tilespmem:$0x19800] =	vst v63  }
0x1b5: {  	s15 =	simm.s32 $0xC800;
	v3 =	vadd.s32 v1, v3  }
0x1b6: {  	[tilespmem:s15], [sflag:$0x3] =	stream.indirect_vreg.gather [hbm4b:s8+s5], $0x80, v4, vm0, $0xb8;
	[tilespmem:$0x19800] =	vst v63  }
0x1b7: {  	s16 =	simm.s32 $0xD000  }
0x1b8: {  	[tilespmem:s16], [sflag:$0x3] =	stream.indirect_vreg.gather [hbm4b:s9+s5], $0x80, v4, vm0, $0xb8;
	[tilespmem:$0x19800] =	vst v63  }
0x1b9: {  	s18 =	simm.s32 $0xD800  }
0x1ba: {  	[tilespmem:s18], [sflag:$0x3] =	stream.indirect_vreg.gather [hbm4b:s0+s5], $0x80, v3, vm0, $0xb8;
	[tilespmem:$0x19800] =	vst v63  }
0x1bb: {  	s19 =	simm.s32 $0xE000  }
0x1bc: {  	[tilespmem:s19], [sflag:$0x3] =	stream.indirect_vreg.gather [hbm4b:s8+s5], $0x80, v3, vm0, $0xb8;
	[tilespmem:$0x19800] =	vst v63  }
0x1bd: {  	s31 =	simm.s32 $0xE800  }
0x1be: {  	[tilespmem:s31], [sflag:$0x3] =	stream.indirect_vreg.gather [hbm4b:s9+s5], $0x80, v3, vm0, $0xb8;
	[tilespmem:$0x19800] =	vst v63  }
0x1bf: {  	v3 =	vld [tilespmem:$0x18310];
	_ =	sdelay $0x4  }
0x1c0: {  	v61 =	vshrl.u32 v3, $0x3  }
0x1c1: {  	v4 =	vmul.u32 $0x30, v61  }
0x1c2: {  	v3 =	vand.u32 $0x7, v3  }
0x1c3: {  	v3 =	vor.u32 v3, v4  }
0x1c4: {  	v4 =	vperm.xlane v3, v0;
	_ =	sdelay $0x1  }
0x1c5: {  	v4 =	vadd.s32 v1, v4;
	_ =	sdelay $0x3  }
0x1c6: {  	s15 =	simm.s32 $0xF000;
	v3 =	vperm.xlane v3, v2  }
0x1c7: {  	[tilespmem:s15], [sflag:$0x3] =	stream.indirect_vreg.gather [hbm4b:s0+s5], $0x80, v4, vm0, $0xb8;
	[tilespmem:$0x19800] =	vst v63  }
0x1c8: {  	s16 =	simm.s32 $0xF800;
	v3 =	vadd.s32 v1, v3  }
0x1c9: {  	[tilespmem:s16], [sflag:$0x3] =	stream.indirect_vreg.gather [hbm4b:s8+s5], $0x80, v4, vm0, $0xb8;
	[tilespmem:$0x19800] =	vst v63  }
0x1ca: {  	s18 =	simm.s32 $0x10000  }
0x1cb: {  	[tilespmem:s18], [sflag:$0x3] =	stream.indirect_vreg.gather [hbm4b:s9+s5], $0x80, v4, vm0, $0xb8;
	[tilespmem:$0x19800] =	vst v63  }
0x1cc: {  	s19 =	simm.s32 $0x10800  }
0x1cd: {  	[tilespmem:s19], [sflag:$0x3] =	stream.indirect_vreg.gather [hbm4b:s0+s5], $0x80, v3, vm0, $0xb8;
	[tilespmem:$0x19800] =	vst v63  }
0x1ce: {  	s31 =	simm.s32 $0x11000  }
0x1cf: {  	[tilespmem:s31], [sflag:$0x3] =	stream.indirect_vreg.gather [hbm4b:s8+s5], $0x80, v3, vm0, $0xb8;
	[tilespmem:$0x19800] =	vst v63  }
0x1d0: {  	s15 =	simm.s32 $0x11800  }
0x1d1: {  	[tilespmem:s15], [sflag:$0x3] =	stream.indirect_vreg.gather [hbm4b:s9+s5], $0x80, v3, vm0, $0xb8;
	[tilespmem:$0x19800] =	vst v63  }
0x1d2: {  	s15 =	simm.s32 $0x4  }
0x1d3: {  	_ =	swait.ge [sflag:s15], $0x6000  }
0x1d4: {  	[sflag:s15] =	ssyncset.done $0x0  }
0x1d5: {  	s16 =	rddreg [dreg:$0x14];
	[sflag:s15] =	ssyncadd.s32 $0xFFFFA000  }
0x1d6: {  	[hbm4b:s16+s5] =	stream.linear.scatter [tilespmem:s4], [sflag:$0x8], $0x6000, $0x38;
	[tilespmem:$0x19800] =	vst v63  }
0x1d7: {  	s16 =	simm.s32 $0x8  }
0x1d8: {  	_ =	swait.ge [sflag:s16], $0x6000  }
0x1d9: {  	[sflag:s16] =	ssyncset.done $0x0  }
0x1da: {  	[sflag:s16] =	ssyncadd.s32 $0xFFFFA000  }
0x1db: {  	v3 =	vld [tilespmem:$0x18380];
	_ =	sdelay $0x4  }
0x1dc: {  	v62 =	vshrl.u32 v3, $0x3  }
0x1dd: {  	v4 =	vmul.u32 $0x30, v62  }
0x1de: {  	v3 =	vand.u32 $0x7, v3  }
0x1df: {  	v3 =	vor.u32 v3, v4  }
0x1e0: {  	v4 =	vperm.xlane v3, v0;
	_ =	sdelay $0x1  }
0x1e1: {  	v4 =	vadd.s32 v1, v4;
	_ =	sdelay $0x3  }
0x1e2: {  	v3 =	vperm.xlane v3, v2  }
0x1e3: {  	[tilespmem:s4], [sflag:$0x4] =	stream.indirect_vreg.gather [hbm4b:s0+s5], $0x80, v4, vm0, $0xb8;
	[tilespmem:$0x19800] =	vst v63  }
0x1e4: {  	s18 =	simm.s32 $0x12800;
	v3 =	vadd.s32 v1, v3  }
0x1e5: {  	[tilespmem:s18], [sflag:$0x4] =	stream.indirect_vreg.gather [hbm4b:s8+s5], $0x80, v4, vm0, $0xb8;
	[tilespmem:$0x19800] =	vst v63  }
0x1e6: {  	s19 =	simm.s32 $0x13000  }
0x1e7: {  	[tilespmem:s19], [sflag:$0x4] =	stream.indirect_vreg.gather [hbm4b:s9+s5], $0x80, v4, vm0, $0xb8;
	[tilespmem:$0x19800] =	vst v63  }
0x1e8: {  	s31 =	simm.s32 $0x13800  }
0x1e9: {  	[tilespmem:s31], [sflag:$0x4] =	stream.indirect_vreg.gather [hbm4b:s0+s5], $0x80, v3, vm0, $0xb8;
	[tilespmem:$0x19800] =	vst v63  }
0x1ea: {  	s18 =	simm.s32 $0x14000  }
0x1eb: {  	[tilespmem:s18], [sflag:$0x4] =	stream.indirect_vreg.gather [hbm4b:s8+s5], $0x80, v3, vm0, $0xb8;
	[tilespmem:$0x19800] =	vst v63  }
0x1ec: {  	s19 =	simm.s32 $0x14800  }
0x1ed: {  	[tilespmem:s19], [sflag:$0x4] =	stream.indirect_vreg.gather [hbm4b:s9+s5], $0x80, v3, vm0, $0xb8;
	[tilespmem:$0x19800] =	vst v63  }
0x1ee: {  	v3 =	vld [tilespmem:$0x18390];
	_ =	sdelay $0x4  }
0x1ef: {  	v63 =	vshrl.u32 v3, $0x3  }
0x1f0: {  	v4 =	vmul.u32 $0x30, v63  }
0x1f1: {  	v3 =	vand.u32 $0x7, v3  }
0x1f2: {  	v3 =	vor.u32 v3, v4  }
0x1f3: {  	v4 =	vperm.xlane v3, v0;
	_ =	sdelay $0x1  }
0x1f4: {  	v4 =	vadd.s32 v1, v4;
	_ =	sdelay $0x3  }
0x1f5: {  	s31 =	simm.s32 $0x15000;
	v3 =	vperm.xlane v3, v2  }
0x1f6: {  	[tilespmem:s31], [sflag:$0x4] =	stream.indirect_vreg.gather [hbm4b:s0+s5], $0x80, v4, vm0, $0xb8;
	[tilespmem:$0x19800] =	vst v63  }
0x1f7: {  	s18 =	simm.s32 $0x15800;
	v3 =	vadd.s32 v1, v3  }
0x1f8: {  	[tilespmem:s18], [sflag:$0x4] =	stream.indirect_vreg.gather [hbm4b:s8+s5], $0x80, v4, vm0, $0xb8;
	[tilespmem:$0x19800] =	vst v63  }
0x1f9: {  	s19 =	simm.s32 $0x16000  }
0x1fa: {  	[tilespmem:s19], [sflag:$0x4] =	stream.indirect_vreg.gather [hbm4b:s9+s5], $0x80, v4, vm0, $0xb8;
	[tilespmem:$0x19800] =	vst v63  }
0x1fb: {  	s31 =	simm.s32 $0x16800  }
0x1fc: {  	[tilespmem:s31], [sflag:$0x4] =	stream.indirect_vreg.gather [hbm4b:s0+s5], $0x80, v3, vm0, $0xb8;
	[tilespmem:$0x19800] =	vst v63  }
0x1fd: {  	s18 =	simm.s32 $0x17000  }
0x1fe: {  	[tilespmem:s18], [sflag:$0x4] =	stream.indirect_vreg.gather [hbm4b:s8+s5], $0x80, v3, vm0, $0xb8;
	[tilespmem:$0x19800] =	vst v63  }
0x1ff: {  	s19 =	simm.s32 $0x17800  }
0x200: {  	[tilespmem:s19], [sflag:$0x4] =	stream.indirect_vreg.gather [hbm4b:s9+s5], $0x80, v3, vm0, $0xb8;
	[tilespmem:$0x19800] =	vst v63  }
0x201: {  	_ =	swait.ge [sflag:s2], $0x6000  }
0x202: {  	[sflag:s2] =	ssyncset.done $0x0  }
0x203: {  	s31 =	rddreg [dreg:$0x15];
	[sflag:s2] =	ssyncadd.s32 $0xFFFFA000  }
0x204: {  	[hbm4b:s31+s5] =	stream.linear.scatter [tilespmem:s5], [sflag:$0x5], $0x6000, $0x38;
	[tilespmem:$0x19800] =	vst v63  }
0x205: {  	_ =	swait.ge [sflag:s7], $0x6000  }
0x206: {  	[sflag:s7] =	ssyncset.done $0x0  }
0x207: {  	s17 =	simm.s32 $0x6000;
	s2 =	rddreg [dreg:$0x16];
	[sflag:s7] =	ssyncadd.s32 $0xFFFFA000  }
0x208: {  	[hbm4b:s2+s5] =	stream.linear.scatter [tilespmem:s17], [sflag:$0x6], $0x6000, $0x38;
	[tilespmem:$0x19800] =	vst v63  }
0x209: {  	_ =	swait.ge [sflag:s13], $0x6000  }
0x20a: {  	[sflag:s13] =	ssyncset.done $0x0  }
0x20b: {  	s7 =	rddreg [dreg:$0x17];
	[sflag:s13] =	ssyncadd.s32 $0xFFFFA000  }
0x20c: {  	[hbm4b:s7+s5] =	stream.linear.scatter [tilespmem:s6], [sflag:$0x7], $0x6000, $0x38;
	[tilespmem:$0x19800] =	vst v63  }
0x20d: {  	_ =	swait.ge [sflag:s15], $0x6000  }
0x20e: {  	[sflag:s15] =	ssyncset.done $0x0  }
0x20f: {  	s13 =	rddreg [dreg:$0x18];
	[sflag:s15] =	ssyncadd.s32 $0xFFFFA000  }
0x210: {  	[hbm4b:s13+s5] =	stream.linear.scatter [tilespmem:s4], [sflag:$0x8], $0x6000, $0x38;
	[tilespmem:$0x19800] =	vst v63  }
0x211: {  	_ =	swait.ge [sflag:s3], $0x6000  }
0x212: {  	[sflag:s3] =	ssyncset.done $0x0  }
0x213: {  	[sflag:s3] =	ssyncadd.s32 $0xFFFFA000  }
0x214: {  	_ =	swait.ge [sflag:s12], $0x6000  }
0x215: {  	[sflag:s12] =	ssyncset.done $0x0  }
0x216: {  	[sflag:s12] =	ssyncadd.s32 $0xFFFFA000  }
0x217: {  	_ =	swait.ge [sflag:s14], $0x6000  }
0x218: {  	[sflag:s14] =	ssyncset.done $0x0  }
0x219: {  	[sflag:s14] =	ssyncadd.s32 $0xFFFFA000  }
0x21a: {  	_ =	swait.ge [sflag:s16], $0x6000  }
0x21b: {  	[sflag:s16] =	ssyncset.done $0x0  }
0x21c: {  	[sflag:s16] =	ssyncadd.s32 $0xFFFFA000  }
0x21d: {  	[bflag:$0x0] =	sbarrier.arrive $0xFFFF  }
0x21e: {  	s17 =	stileid.u32;
	s16 =	sld [smem:$0x7FC]  }
0x21f: {  	s6 =	sshll.u32 s17, $0x6  }
0x220: {  	s6 =	sor.u32 $0x1C09, s6;
	s15 =	rddreg [dreg:$0x19]  }
0x221: {  	[hbm:s15], [sflag:s6] =	dma.local [spmem:s16], $0x80  }
0x222: {  	_ =	swait.ge [sflag:s11], $0x80  }
0x223: {  	s19 =	sld [smem:$0x7FD]  }
0x224: {  	p0 =	sne.s32 s10, $0x1;
	[sflag:s11] =	ssyncset.done $0x0  }
.Ltmp0:
0x225: {  	s18 =	rddreg [dreg:$0x1a];
	[sflag:s11] =	ssyncadd.s32 $0xFFFFFF80;
	(pc) =	sbr.rel @p0 .LBB2_1-.Ltmp0, $4  }
0x226: {  	[hbm:s18], [sflag:s6] =	dma.local [spmem:s19], $0x80  }
0x227: {  	_ =	swait.ge [sflag:s11], $0x80  }
0x228: {  	[sflag:s11] =	ssyncset.done $0x0  }
0x229: {  	s10 =	sadd.s32 $0xFFFFFFFF, s10;
	[sflag:s11] =	ssyncadd.s32 $0xFFFFFF80  }
0x22a: {  	_ =	sfence.sel $0x180000  }
0x22b: {  	[bflag:$0x0] =	sbarrier.arrive $0xFFFF  }
0x22c: {  	_ =	strace $0x90000047  }
0x22d: {  	s0 =	stileid.u32;
	[bflag:$0x2] =	sbarrier.arrive $0xFFFF  }
0x22e: {  	p0 =	sne.s32 s0, $0x0;
	s0 =	rddreg [dreg:$0x7]  }
0x22f: {  	s0 =	sadd.s32 @!p0 $0x100000, s0  }
0x230: {  	[sflag:s0] =	ssyncadd.tile.s32 @!p0 $0x1;
	_ =	shalt  }
.Lfunc_end2:
_tile_overlayer_lowered:
.L_overlay_start_2:
0x231: {  	(tag) =	ssettag $0x2  }
0x232: {  	s0 =	rddreg [dreg:$0x0];
	s2 =	stileid.u32  }
0x233: {  	s1 =	rddreg [dreg:$0x1];
	p0 =	sne.s32 s2, $0x0  }
0x234: {  	s3 =	rddreg [dreg:$0x2];
	[bflag:$0x3] =	sbarrier.arrive $0xFFFF;
	s2 =	simm.s32 @!p0 $0x1C09  }
0x235: {  	[timem:s3], [sflag:s2] =	dma.local @!p0 [hbm:s0], s1  }
0x236: {  	s0 =	simm.s32 @!p0 $0x9  }
0x237: {  	_ =	swait.ge @!p0 [sflag:s0], s1  }
0x238: {  	s1 =	ssub.s32 @!p0 $0x0, s1;
	[sflag:s0] =	ssyncset.done @!p0 $0x0  }
0x239: {  	[sflag:s0] =	ssyncadd.s32 @!p0 s1  }
0x23a: {  	[bflag:$0x3] =	sbarrier.arrive $0xFFFF  }
0x23b: {  	_ =	shalt  }

</sc_bundles>
